<compile_context>
chip_gen: v7x
topology: tpu7x:2x2x1
jax: 0.10.2.dev20260603
libtpu: 0.0.44.dev20260713+nightly
codegen_flags: <defaults>
</compile_context>

<pallas_src>
import functools

import jax
import jax.numpy as jnp
from jax import lax
from jax.experimental import pallas as pl
from jax.experimental.pallas import tpu as pltpu
from jax.experimental.pallas import tpu_sc as plsc

N_NODES = 10000
D_FEAT = 128
HIDDEN = 64
N_CAND = 512
N_EDGES = 320000

NC = 2
NS = 16
NW = NC * NS
CHUNK = 128
CPW = 80
E_PAD = NW * CPW * CHUNK
CHUNK0 = 64
CPW0 = 160
ACC_ROWS = 10240
RPT = ACC_ROWS // NS


def _sc_segment_sum(g, src2d, dst2d, width, chunk, cpw):
    mesh = plsc.VectorSubcoreMesh(
        core_axis_name="c", subcore_axis_name="s", num_cores=NC, num_subcores=NS
    )

    @functools.partial(
        pl.kernel,
        out_type=jax.ShapeDtypeStruct((NC, ACC_ROWS, width), jnp.float32),
        mesh=mesh,
        compiler_params=pltpu.CompilerParams(use_tc_tiling_on_sc=False),
        scratch_types=[
            pltpu.VMEM((cpw, chunk), jnp.int32),
            pltpu.VMEM((cpw, chunk), jnp.int32),
            pltpu.VMEM((chunk, width), jnp.float32),
            pltpu.VMEM((chunk, width), jnp.float32),
            pltpu.VMEM_SHARED((ACC_ROWS, width), jnp.float32),
            pltpu.SemaphoreType.DMA,
            pltpu.SemaphoreType.DMA,
        ],
    )
    def ker(g_hbm, src_hbm, dst_hbm, out_hbm,
            idx_s, idx_d, rows_a, rows_b, acc_sh, sem_a, sem_b):
        cid = lax.axis_index("c")
        sid = lax.axis_index("s")
        wid = cid * NS + sid

        @pl.loop(0, chunk)
        def _(r):
            @pl.loop(0, width, step=16)
            def _(c0):
                rows_a.at[r, pl.ds(c0, 16)][...] = jnp.zeros((16,), jnp.float32)

        @pl.loop(0, RPT // chunk)
        def _(z):
            pltpu.sync_copy(rows_a,
                            acc_sh.at[pl.ds(sid * RPT + z * chunk, chunk)])

        pltpu.sync_copy(src_hbm.at[pl.ds(wid * cpw, cpw)], idx_s)
        pltpu.sync_copy(dst_hbm.at[pl.ds(wid * cpw, cpw)], idx_d)

        plsc.subcore_barrier()

        pltpu.async_copy(g_hbm.at[idx_s.at[0]], rows_a, sem_a)
        pltpu.async_copy(g_hbm.at[idx_s.at[1]], rows_b, sem_b)

        @pl.loop(0, cpw, step=2)
        def _(j):
            pltpu.make_async_copy(g_hbm.at[pl.ds(0, chunk)], rows_a, sem_a).wait()
            pltpu.sync_copy(rows_a, acc_sh.at[idx_d.at[j]], add=True)

            @pl.when(j + 2 < cpw)
            def _():
                pltpu.async_copy(g_hbm.at[idx_s.at[j + 2]], rows_a, sem_a)

            pltpu.make_async_copy(g_hbm.at[pl.ds(0, chunk)], rows_b, sem_b).wait()
            pltpu.sync_copy(rows_b, acc_sh.at[idx_d.at[j + 1]], add=True)

            @pl.when(j + 3 < cpw)
            def _():
                pltpu.async_copy(g_hbm.at[idx_s.at[j + 3]], rows_b, sem_b)

        plsc.subcore_barrier()

        pltpu.sync_copy(acc_sh.at[pl.ds(sid * RPT, RPT)],
                        out_hbm.at[cid, pl.ds(sid * RPT, RPT)])

    return ker(g, src2d, dst2d)


def _dot(a, b):
    return jnp.dot(a, b, preferred_element_type=jnp.float32)


def _gin_layer(h_ref, acc_ref, w1_ref, b1_ref, w2_ref, b2_ref, gm_ref, bt_ref):
    aggr = acc_ref[0, :N_NODES, :] + acc_ref[1, :N_NODES, :]
    z = jnp.maximum(_dot(h_ref[...] + aggr, w1_ref[...]) + b1_ref[...], 0.0)
    z = _dot(z, w2_ref[...]) + b2_ref[...]
    mu = jnp.mean(z, axis=0, keepdims=True)
    var = jnp.mean((z - mu) ** 2, axis=0, keepdims=True)
    zn = (z - mu) / jnp.sqrt(var + 1e-5) * gm_ref[...] + bt_ref[...]
    return jnp.maximum(zn, 0.0)


def _layer_body(h_ref, acc_ref, w1_ref, b1_ref, w2_ref, b2_ref, gm_ref,
                bt_ref, o_ref):
    o_ref[...] = _gin_layer(h_ref, acc_ref, w1_ref, b1_ref, w2_ref, b2_ref,
                            gm_ref, bt_ref)


def _stage_layer0(x, acc, w1, b1, w2, b2, gm, bt):
    return pl.pallas_call(
        _layer_body,
        out_shape=jax.ShapeDtypeStruct((N_NODES, HIDDEN), jnp.float32),
    )(x, acc, w1, b1, w2, b2, gm, bt)


def _stage_c_body(h_ref, acc_ref, w1_ref, b1_ref, w2_ref, b2_ref, gm_ref,
                  bt_ref, cand_ref,
                  aw0g_ref, aw0c_ref, ab0_ref, aw1_ref, ab1_ref, aw2_ref,
                  ab2_ref, cw0g_ref, cw0c_ref, cb0_ref, cw1_ref, cb1_ref,
                  cw2_ref, cb2_ref,
                  a_ref, v_ref, lp_ref, h2_ref, ce_ref):
    h = _gin_layer(h_ref, acc_ref, w1_ref, b1_ref, w2_ref, b2_ref, gm_ref,
                   bt_ref)
    h2_ref[...] = h
    hg = jnp.mean(h, axis=0, keepdims=True)

    def gather_row(i, _):
        idx = cand_ref[i]
        ce_ref[pl.ds(i, 1), :] = h2_ref[pl.ds(idx, 1), :]
        return 0

    lax.fori_loop(0, N_CAND, gather_row, 0)
    ce = ce_ref[...]

    ah = jnp.tanh(_dot(ce, aw0c_ref[...]) + _dot(hg, aw0g_ref[...])
                  + ab0_ref[...])
    ah = jnp.tanh(_dot(ah, aw1_ref[...]) + ab1_ref[...])
    logits = jnp.sum(ah * aw2_ref[...], axis=1, keepdims=True) + ab2_ref[...]

    ch = jnp.tanh(_dot(ce, cw0c_ref[...]) + _dot(hg, cw0g_ref[...])
                  + cb0_ref[...])
    ch = jnp.tanh(_dot(ch, cw1_ref[...]) + cb1_ref[...])
    v_ref[...] = jnp.sum(ch * cw2_ref[...], axis=1, keepdims=True) + cb2_ref[...]

    m = jnp.max(logits)
    iota = lax.broadcasted_iota(jnp.int32, (N_CAND, 1), 0)
    a_val = jnp.min(jnp.where(logits == m, iota, jnp.int32(2**30)))
    a_ref[...] = jnp.full((1, 1), a_val, jnp.int32)
    s = jnp.sum(jnp.exp(logits - m))
    lp_ref[...] = jnp.full((1, 1), -jnp.log(s), jnp.float32)


def _stage_c(h1, acc, w1, b1, w2, b2, gm, bt, cand, hp):
    return pl.pallas_call(
        _stage_c_body,
        out_shape=(
            jax.ShapeDtypeStruct((1, 1), jnp.int32),
            jax.ShapeDtypeStruct((N_CAND, 1), jnp.float32),
            jax.ShapeDtypeStruct((1, 1), jnp.float32),
        ),
        in_specs=[pl.BlockSpec(memory_space=pltpu.VMEM)] * 8
        + [pl.BlockSpec(memory_space=pltpu.SMEM)]
        + [pl.BlockSpec(memory_space=pltpu.VMEM)] * 14,
        out_specs=(
            pl.BlockSpec(memory_space=pltpu.VMEM),
            pl.BlockSpec(memory_space=pltpu.VMEM),
            pl.BlockSpec(memory_space=pltpu.VMEM),
        ),
        scratch_shapes=[
            pltpu.VMEM((N_NODES, HIDDEN), jnp.float32),
            pltpu.VMEM((N_CAND, HIDDEN), jnp.float32),
        ],
    )(h1, acc, w1, b1, w2, b2, gm, bt, cand, *hp)


def kernel(x, edge_index, candidate_node_indices, params):
    src = edge_index[0].astype(jnp.int32)
    dst = edge_index[1].astype(jnp.int32)
    pad = E_PAD - N_EDGES
    pad_ar = jnp.arange(pad, dtype=jnp.int32)
    pad_src = (pad_ar * 79) % N_NODES
    src2d = jnp.concatenate([src, pad_src]).reshape(NW * CPW, CHUNK)
    pad_dst = N_NODES + pad_ar % (ACC_ROWS - N_NODES)
    dst2d = jnp.concatenate([dst, pad_dst]).reshape(NW * CPW, CHUNK)
    src2d_0 = src2d.reshape(NW * CPW0, CHUNK0)
    dst2d_0 = dst2d.reshape(NW * CPW0, CHUNK0)

    def row(v):
        return v.reshape(1, -1)

    p = params
    acc0 = _sc_segment_sum(x, src2d_0, dst2d_0, D_FEAT, CHUNK0, CPW0)
    h1 = _stage_layer0(x, acc0, p["W1_0"], row(p["b1_0"]), p["W2_0"],
                       row(p["b2_0"]), row(p["gamma_0"]), row(p["beta_0"]))
    acc1 = _sc_segment_sum(h1, src2d, dst2d, HIDDEN, CHUNK, CPW)

    head = (
        p["aW0"][:HIDDEN, :], p["aW0"][HIDDEN:, :], row(p["ab0"]),
        p["aW1"], row(p["ab1"]), row(p["aW2"].T), p["ab2"].reshape(1, 1),
        p["cW0"][:HIDDEN, :], p["cW0"][HIDDEN:, :], row(p["cb0"]),
        p["cW1"], row(p["cb1"]), row(p["cW2"].T), p["cb2"].reshape(1, 1),
    )
    a_out, v, lp_out = _stage_c(
        h1, acc1, p["W1_1"], row(p["b1_1"]), p["W2_1"], row(p["b2_1"]),
        row(p["gamma_1"]), row(p["beta_1"]),
        candidate_node_indices.astype(jnp.int32), head)

    return (a_out.reshape(()), v, lp_out.reshape(()))

# --- scband reference (transcript-rebuilt; emitter-appended) ---
"""Pipeline reference for scband-gppo-25692494364720 (READ-ONLY COPY).

The authoritative reference and input builder live on the scoring server;
editing this copy changes nothing except your own understanding.
"""

import jax, jax.numpy as jnp
import numpy as np

N_NODES = 10000
N_EDGES = 320000
D_FEAT = 128
HIDDEN = 64
N_CAND = 512
NUM_LAYERS = 2

def _init(key, fan_in, shape):
    return (jax.random.normal(key, shape, dtype=jnp.float32) / np.sqrt(fan_in)).astype(jnp.float32)

def setup_inputs(seed: int = 0):
    key = jax.random.key(seed)
    ks = jax.random.split(key, 40)
    x = jax.random.normal(ks[0], (N_NODES, D_FEAT), dtype=jnp.float32)
    edge_index = jax.random.randint(ks[1], (2, N_EDGES), 0, N_NODES)
    cand = jax.random.randint(ks[2], (N_CAND,), 0, N_NODES)
    params = {}
    ki = 3
    in_dim = D_FEAT
    for i in range(NUM_LAYERS):
        params[f'W1_{i}'] = _init(ks[ki], in_dim, (in_dim, HIDDEN)); ki += 1
        params[f'b1_{i}'] = jnp.zeros((HIDDEN,), jnp.float32)
        params[f'W2_{i}'] = _init(ks[ki], HIDDEN, (HIDDEN, HIDDEN)); ki += 1
        params[f'b2_{i}'] = jnp.zeros((HIDDEN,), jnp.float32)
        params[f'gamma_{i}'] = jnp.ones((HIDDEN,), jnp.float32)
        params[f'beta_{i}'] = jnp.zeros((HIDDEN,), jnp.float32)
        in_dim = HIDDEN
    dims = [2 * HIDDEN, 64, 64, 1]
    for pre in ('a', 'c'):
        for j in range(3):
            params[f'{pre}W{j}'] = _init(ks[ki], dims[j], (dims[j], dims[j + 1])); ki += 1
            params[f'{pre}b{j}'] = jnp.zeros((dims[j + 1],), jnp.float32)
    return {'x': x, 'edge_index': edge_index, 'candidate_node_indices': cand, 'params': params}

def _forward(x, edge_index, cand, params):
    src, dst = edge_index[0], edge_index[1]
    h = x
    for i in range(NUM_LAYERS):
        # GINConv with eps=0: (1+eps)*x + sum-aggregation of neighbor messages (scatter-add)
        aggr = jax.ops.segment_sum(h[src], dst, num_segments=h.shape[0])
        z = h + aggr
        z = jax.nn.relu(z @ params[f'W1_{i}'] + params[f'b1_{i}'])
        z = z @ params[f'W2_{i}'] + params[f'b2_{i}']
        # BatchNorm1d in training mode (batch statistics)
        mu = z.mean(axis=0)
        var = z.var(axis=0)
        z = (z - mu) / jnp.sqrt(var + 1e-5) * params[f'gamma_{i}'] + params[f'beta_{i}']
        h = jax.nn.relu(z)
    # global_mean_pool with batch=None -> single-graph mean
    h_graph = h.mean(axis=0)
    ce = h[cand]
    feat = jnp.concatenate([jnp.broadcast_to(h_graph[None, :], ce.shape), ce], axis=-1)
    ah = jnp.tanh(feat @ params['aW0'] + params['ab0'])
    ah = jnp.tanh(ah @ params['aW1'] + params['ab1'])
    logits = (ah @ params['aW2'] + params['ab2'])[:, 0]
    ch = jnp.tanh(feat @ params['cW0'] + params['cb0'])
    ch = jnp.tanh(ch @ params['cW1'] + params['cb1'])
    v = ch @ params['cW2'] + params['cb2']
    return logits, v

def reference(x, edge_index, candidate_node_indices, params):
    logits, v = _forward(x, edge_index, candidate_node_indices, params)
    logp = jax.nn.log_softmax(logits)
    a = jnp.argmax(logits)
    logp_a = logp[a]
    return (a, v, logp_a)

if __name__ == "__main__":
    import jax
    _d = setup_inputs()
    print(jax.jit(kernel)(*tuple(_d.values())))

</pallas_src>

<mosaic_0001>
#map = affine_map<(d0, d1) -> (0, 0)>
#map1 = affine_map<(d0, d1) -> (0, 0, 0)>
module attributes {stable_mosaic.version = 14 : i64} {
  func.func @ker(%arg0: i32, %arg1: i32, %arg2: memref<10000x128xf32, #tpu.memory_space<hbm>>, %arg3: memref<5120x64xi32, #tpu.memory_space<hbm>>, %arg4: memref<5120x64xi32, #tpu.memory_space<hbm>>, %arg5: memref<2x10240x128xf32, #tpu.memory_space<hbm>>, %arg6: memref<160x64xi32, #tpu.memory_space<vmem>>, %arg7: memref<160x64xi32, #tpu.memory_space<vmem>>, %arg8: memref<64x128xf32, #tpu.memory_space<vmem>>, %arg9: memref<64x128xf32, #tpu.memory_space<vmem>>, %arg10: memref<10240x128xf32, #tpu.memory_space<vmem_shared>>, %arg11: memref<!tpu.dma_semaphore, #tpu.memory_space<semaphore_mem>>, %arg12: memref<!tpu.dma_semaphore, #tpu.memory_space<semaphore_mem>>) attributes {dimension_semantics = [#tpu.dimension_semantics<core_parallel>, #tpu.dimension_semantics<subcore_parallel>], iteration_bounds = array<i64: 2, 16>, scalar_prefetch = 0 : i64, scratch_operands = 7 : i64, tpu.core_type = #tpu.core_type<sc_vector_subcore>, window_params = [{transform_indices = #map}, {transform_indices = #map}, {transform_indices = #map}, {transform_indices = #map1}]} {
    %mul3A = arith.constant 16 : i32
    %mul3A_0 = arith.muli %arg0, %mul3A : i32
    %add3A = arith.addi %mul3A_0, %arg1 : i32
    %scan3A = arith.constant 0 : i32
    %scan3A_1 = arith.constant 64 : i32
    %scan3A_2 = arith.addi %scan3A, %scan3A_1 : i32
    %scan3A_3 = arith.constant 1 : i32
    scf.for %scan3A_37 = %scan3A to %scan3A_2 step %scan3A_3  : i32 {
      %mul3A_38 = arith.constant 1 : i32
      %mul3A_39 = arith.muli %scan3A_37, %mul3A_38 : i32
      %add3A_40 = arith.constant 0 : i32
      %add3A_41 = arith.addi %add3A_40, %mul3A_39 : i32
      %scan3A_42 = arith.constant 0 : i32
      %scan3A_43 = arith.constant 8 : i32
      %scan3A_44 = arith.addi %scan3A_42, %scan3A_43 : i32
      %scan3A_45 = arith.constant 1 : i32
      scf.for %scan3A_47 = %scan3A_42 to %scan3A_44 step %scan3A_45  : i32 {
        %mul3A_48 = arith.constant 16 : i32
        %mul3A_49 = arith.muli %scan3A_47, %mul3A_48 : i32
        %add3A_50 = arith.constant 0 : i32
        %add3A_51 = arith.addi %add3A_50, %mul3A_49 : i32
        %broadcast_in_dim3A = arith.constant 0.000000e+00 : f32
        %broadcast_in_dim3A_52 = vector.broadcast %broadcast_in_dim3A : f32 to vector<16xf32>
        %swap3A = arith.index_cast %add3A_41 : i32 to index
        %swap3A_53 = arith.index_cast %add3A_51 : i32 to index
        %swap3A_54 = tpu.vector_load %arg8[%swap3A, %swap3A_53] {strides = array<i32>} : memref<64x128xf32, #tpu.memory_space<vmem>>, vector<1x16xf32>,
        %swap3A_55 = vector.shape_cast %swap3A_54 : vector<1x16xf32> to vector<16xf32>
        %swap3A_56 = vector.shape_cast %broadcast_in_dim3A_52 : vector<16xf32> to vector<1x16xf32>
        tpu.vector_store %arg8[%swap3A, %swap3A_53], %swap3A_56 {strides = array<i32>} : memref<64x128xf32, #tpu.memory_space<vmem>>, vector<1x16xf32>,
      }
      %scan3A_46 = arith.constant 8 : i32
    }
    %scan3A_4 = arith.constant 64 : i32
    %scan3A_5 = arith.constant 0 : i32
    %scan3A_6 = arith.constant 10 : i32
    %scan3A_7 = arith.addi %scan3A_5, %scan3A_6 : i32
    %scan3A_8 = arith.constant 1 : i32
    scf.for %scan3A_37 = %scan3A_5 to %scan3A_7 step %scan3A_8  : i32 {
      %mul3A_38 = arith.constant 1 : i32
      %mul3A_39 = arith.muli %scan3A_37, %mul3A_38 : i32
      %add3A_40 = arith.constant 0 : i32
      %add3A_41 = arith.addi %add3A_40, %mul3A_39 : i32
      %mul3A_42 = arith.constant 640 : i32
      %mul3A_43 = arith.muli %arg1, %mul3A_42 : i32
      %mul3A_44 = arith.constant 64 : i32
      %mul3A_45 = arith.muli %add3A_41, %mul3A_44 : i32
      %add3A_46 = arith.addi %mul3A_43, %mul3A_45 : i32
      "tpu.region"() ({
        %run_scoped3A = tpu.sem_alloc : memref<!tpu.dma_semaphore, #tpu.memory_space<semaphore_mem>>
        %dma_start3A_47 = arith.constant 0 : i32
        %dma_start3A_48 = tpu.memref_slice %arg10[%add3A_46, %dma_start3A_47] : memref<10240x128xf32, #tpu.memory_space<vmem_shared>> -> memref<64x128xf32, #tpu.memory_space<vmem_shared>>
        %dma_start3A_49 = arith.constant 0 : i32
        %dma_start3A_50 = tpu.memref_slice %arg10[%add3A_46, %dma_start3A_49] : memref<10240x128xf32, #tpu.memory_space<vmem_shared>> -> memref<64x128xf32, #tpu.memory_space<vmem_shared>>
        tpu.enqueue_dma source(%arg8 : memref<64x128xf32, #tpu.memory_space<vmem>>) target(%dma_start3A_50 : memref<64x128xf32, #tpu.memory_space<vmem_shared>>) target_semaphore(%run_scoped3A : memref<!tpu.dma_semaphore, #tpu.memory_space<semaphore_mem>>)
        %dma_wait3A = arith.constant 0 : i32
        %dma_wait3A_51 = tpu.memref_slice %arg10[%add3A_46, %dma_wait3A] : memref<10240x128xf32, #tpu.memory_space<vmem_shared>> -> memref<64x128xf32, #tpu.memory_space<vmem_shared>>
        %dma_wait3A_52 = arith.constant 0 : i32
        %dma_wait3A_53 = tpu.memref_slice %arg10[%add3A_46, %dma_wait3A_52] : memref<10240x128xf32, #tpu.memory_space<vmem_shared>> -> memref<64x128xf32, #tpu.memory_space<vmem_shared>>
        tpu.wait_dma2 semaphore(%run_scoped3A : memref<!tpu.dma_semaphore, #tpu.memory_space<semaphore_mem>>) src(%arg8 : memref<64x128xf32, #tpu.memory_space<vmem>>) dst(%dma_wait3A_53 : memref<64x128xf32, #tpu.memory_space<vmem_shared>>)
        tpu.yield
      }) : () -> ()
    }
    %scan3A_9 = arith.constant 10 : i32
    %mul3A_10 = arith.constant 160 : i32
    %mul3A_11 = arith.muli %add3A, %mul3A_10 : i32
    "tpu.region"() ({
      %run_scoped3A = tpu.sem_alloc : memref<!tpu.dma_semaphore, #tpu.memory_space<semaphore_mem>>
      %dma_start3A_37 = arith.constant 0 : i32
      %dma_start3A_38 = tpu.memref_slice %arg3[%mul3A_11, %dma_start3A_37] : memref<5120x64xi32, #tpu.memory_space<hbm>> -> memref<160x64xi32, #tpu.memory_space<hbm>>
      %dma_start3A_39 = arith.constant 0 : i32
      %dma_start3A_40 = tpu.memref_slice %arg3[%mul3A_11, %dma_start3A_39] : memref<5120x64xi32, #tpu.memory_space<hbm>> -> memref<160x64xi32, #tpu.memory_space<hbm>>
      tpu.enqueue_dma source(%dma_start3A_40 : memref<160x64xi32, #tpu.memory_space<hbm>>) target(%arg6 : memref<160x64xi32, #tpu.memory_space<vmem>>) target_semaphore(%run_scoped3A : memref<!tpu.dma_semaphore, #tpu.memory_space<semaphore_mem>>)
      %dma_wait3A = arith.constant 0 : i32
      %dma_wait3A_41 = tpu.memref_slice %arg3[%mul3A_11, %dma_wait3A] : memref<5120x64xi32, #tpu.memory_space<hbm>> -> memref<160x64xi32, #tpu.memory_space<hbm>>
      %dma_wait3A_42 = arith.constant 0 : i32
      %dma_wait3A_43 = tpu.memref_slice %arg3[%mul3A_11, %dma_wait3A_42] : memref<5120x64xi32, #tpu.memory_space<hbm>> -> memref<160x64xi32, #tpu.memory_space<hbm>>
      tpu.wait_dma2 semaphore(%run_scoped3A : memref<!tpu.dma_semaphore, #tpu.memory_space<semaphore_mem>>) src(%dma_wait3A_43 : memref<160x64xi32, #tpu.memory_space<hbm>>) dst(%arg6 : memref<160x64xi32, #tpu.memory_space<vmem>>)
      tpu.yield
    }) : () -> ()
    %mul3A_12 = arith.constant 160 : i32
    %mul3A_13 = arith.muli %add3A, %mul3A_12 : i32
    "tpu.region"() ({
      %run_scoped3A = tpu.sem_alloc : memref<!tpu.dma_semaphore, #tpu.memory_space<semaphore_mem>>
      %dma_start3A_37 = arith.constant 0 : i32
      %dma_start3A_38 = tpu.memref_slice %arg4[%mul3A_13, %dma_start3A_37] : memref<5120x64xi32, #tpu.memory_space<hbm>> -> memref<160x64xi32, #tpu.memory_space<hbm>>
      %dma_start3A_39 = arith.constant 0 : i32
      %dma_start3A_40 = tpu.memref_slice %arg4[%mul3A_13, %dma_start3A_39] : memref<5120x64xi32, #tpu.memory_space<hbm>> -> memref<160x64xi32, #tpu.memory_space<hbm>>
      tpu.enqueue_dma source(%dma_start3A_40 : memref<160x64xi32, #tpu.memory_space<hbm>>) target(%arg7 : memref<160x64xi32, #tpu.memory_space<vmem>>) target_semaphore(%run_scoped3A : memref<!tpu.dma_semaphore, #tpu.memory_space<semaphore_mem>>)
      %dma_wait3A = arith.constant 0 : i32
      %dma_wait3A_41 = tpu.memref_slice %arg4[%mul3A_13, %dma_wait3A] : memref<5120x64xi32, #tpu.memory_space<hbm>> -> memref<160x64xi32, #tpu.memory_space<hbm>>
      %dma_wait3A_42 = arith.constant 0 : i32
      %dma_wait3A_43 = tpu.memref_slice %arg4[%mul3A_13, %dma_wait3A_42] : memref<5120x64xi32, #tpu.memory_space<hbm>> -> memref<160x64xi32, #tpu.memory_space<hbm>>
      tpu.wait_dma2 semaphore(%run_scoped3A : memref<!tpu.dma_semaphore, #tpu.memory_space<semaphore_mem>>) src(%dma_wait3A_43 : memref<160x64xi32, #tpu.memory_space<hbm>>) dst(%arg7 : memref<160x64xi32, #tpu.memory_space<vmem>>)
      tpu.yield
    }) : () -> ()
    %barrier3A = arith.constant 0 : index
    tpu.barrier barrier_id(%barrier3A)
    %dma_start3A = arith.constant 0 : i32
    %dma_start3A_14 = arith.constant 0 : i32
    %dma_start3A_15 = tpu.memref_slice %arg6[%dma_start3A, %dma_start3A_14] : memref<160x64xi32, #tpu.memory_space<vmem>> -> memref<1x64xi32, #tpu.memory_space<vmem>>
    %dma_start3A_16 = tpu.memref_squeeze %dma_start3A_15 : memref<1x64xi32, #tpu.memory_space<vmem>> -> memref<64xi32, #tpu.memory_space<vmem>>
    %dma_start3A_17 = arith.constant 0 : i32
    %dma_start3A_18 = arith.constant 0 : i32
    %dma_start3A_19 = tpu.memref_slice %arg2[%dma_start3A_17, %dma_start3A_18] : memref<10000x128xf32, #tpu.memory_space<hbm>> -> memref<10000x128xf32, #tpu.memory_space<hbm>>
    tpu.enqueue_indirect_dma source(%dma_start3A_19 : memref<10000x128xf32, #tpu.memory_space<hbm>>) target(%arg8 : memref<64x128xf32, #tpu.memory_space<vmem>>) offsets(%dma_start3A_16 : memref<64xi32, #tpu.memory_space<vmem>>) semaphore(%arg11 : memref<!tpu.dma_semaphore, #tpu.memory_space<semaphore_mem>>)
    %dma_start3A_20 = arith.constant 1 : i32
    %dma_start3A_21 = arith.constant 0 : i32
    %dma_start3A_22 = tpu.memref_slice %arg6[%dma_start3A_20, %dma_start3A_21] : memref<160x64xi32, #tpu.memory_space<vmem>> -> memref<1x64xi32, #tpu.memory_space<vmem>>
    %dma_start3A_23 = tpu.memref_squeeze %dma_start3A_22 : memref<1x64xi32, #tpu.memory_space<vmem>> -> memref<64xi32, #tpu.memory_space<vmem>>
    %dma_start3A_24 = arith.constant 0 : i32
    %dma_start3A_25 = arith.constant 0 : i32
    %dma_start3A_26 = tpu.memref_slice %arg2[%dma_start3A_24, %dma_start3A_25] : memref<10000x128xf32, #tpu.memory_space<hbm>> -> memref<10000x128xf32, #tpu.memory_space<hbm>>
    tpu.enqueue_indirect_dma source(%dma_start3A_26 : memref<10000x128xf32, #tpu.memory_space<hbm>>) target(%arg9 : memref<64x128xf32, #tpu.memory_space<vmem>>) offsets(%dma_start3A_23 : memref<64xi32, #tpu.memory_space<vmem>>) semaphore(%arg12 : memref<!tpu.dma_semaphore, #tpu.memory_space<semaphore_mem>>)
    %scan3A_27 = arith.constant 0 : i32
    %scan3A_28 = arith.constant 80 : i32
    %scan3A_29 = arith.addi %scan3A_27, %scan3A_28 : i32
    %scan3A_30 = arith.constant 1 : i32
    scf.for %scan3A_37 = %scan3A_27 to %scan3A_29 step %scan3A_30  : i32 {
      %mul3A_38 = arith.constant 2 : i32
      %mul3A_39 = arith.muli %scan3A_37, %mul3A_38 : i32
      %add3A_40 = arith.constant 0 : i32
      %add3A_41 = arith.addi %add3A_40, %mul3A_39 : i32
      %dma_wait3A = arith.constant 0 : i32
      %dma_wait3A_42 = arith.constant 0 : i32
      %dma_wait3A_43 = tpu.memref_slice %arg2[%dma_wait3A, %dma_wait3A_42] : memref<10000x128xf32, #tpu.memory_space<hbm>> -> memref<64x128xf32, #tpu.memory_space<hbm>>
      %dma_wait3A_44 = arith.constant 0 : i32
      %dma_wait3A_45 = arith.constant 0 : i32
      %dma_wait3A_46 = tpu.memref_slice %arg2[%dma_wait3A_44, %dma_wait3A_45] : memref<10000x128xf32, #tpu.memory_space<hbm>> -> memref<64x128xf32, #tpu.memory_space<hbm>>
      tpu.wait_dma2 semaphore(%arg11 : memref<!tpu.dma_semaphore, #tpu.memory_space<semaphore_mem>>) src(%dma_wait3A_46 : memref<64x128xf32, #tpu.memory_space<hbm>>) dst(%arg8 : memref<64x128xf32, #tpu.memory_space<vmem>>)
      "tpu.region"() ({
        %run_scoped3A = tpu.sem_alloc : memref<!tpu.dma_semaphore, #tpu.memory_space<semaphore_mem>>
        %dma_start3A_66 = arith.constant 0 : i32
        %dma_start3A_67 = tpu.memref_slice %arg7[%add3A_41, %dma_start3A_66] : memref<160x64xi32, #tpu.memory_space<vmem>> -> memref<1x64xi32, #tpu.memory_space<vmem>>
        %dma_start3A_68 = tpu.memref_squeeze %dma_start3A_67 : memref<1x64xi32, #tpu.memory_space<vmem>> -> memref<64xi32, #tpu.memory_space<vmem>>
        %dma_start3A_69 = arith.constant 0 : i32
        %dma_start3A_70 = arith.constant 0 : i32
        %dma_start3A_71 = tpu.memref_slice %arg10[%dma_start3A_69, %dma_start3A_70] : memref<10240x128xf32, #tpu.memory_space<vmem_shared>> -> memref<10240x128xf32, #tpu.memory_space<vmem_shared>>
        tpu.enqueue_indirect_dma source(%arg8 : memref<64x128xf32, #tpu.memory_space<vmem>>) target(%dma_start3A_71 : memref<10240x128xf32, #tpu.memory_space<vmem_shared>>) offsets(%dma_start3A_68 : memref<64xi32, #tpu.memory_space<vmem>>) semaphore(%run_scoped3A : memref<!tpu.dma_semaphore, #tpu.memory_space<semaphore_mem>>) {add = true}
        %dma_wait3A_72 = arith.constant 0 : i32
        %dma_wait3A_73 = tpu.memref_slice %arg7[%add3A_41, %dma_wait3A_72] : memref<160x64xi32, #tpu.memory_space<vmem>> -> memref<1x64xi32, #tpu.memory_space<vmem>>
        %dma_wait3A_74 = tpu.memref_squeeze %dma_wait3A_73 : memref<1x64xi32, #tpu.memory_space<vmem>> -> memref<64xi32, #tpu.memory_space<vmem>>
        %dma_wait3A_75 = arith.constant 0 : i32
        %dma_wait3A_76 = arith.constant 0 : i32
        %dma_wait3A_77 = tpu.memref_slice %arg10[%dma_wait3A_75, %dma_wait3A_76] : memref<10240x128xf32, #tpu.memory_space<vmem_shared>> -> memref<10240x128xf32, #tpu.memory_space<vmem_shared>>
        tpu.wait_indirect_dma semaphore(%run_scoped3A : memref<!tpu.dma_semaphore, #tpu.memory_space<semaphore_mem>>) src(%arg8 : memref<64x128xf32, #tpu.memory_space<vmem>>) dst(%dma_wait3A_77 : memref<10240x128xf32, #tpu.memory_space<vmem_shared>>)
        tpu.yield
      }) : () -> ()
      %add3A_47 = arith.constant 2 : i32
      %add3A_48 = arith.addi %add3A_41, %add3A_47 : i32
      %lt3A = arith.constant 160 : i32
      %lt3A_49 = arith.cmpi slt, %add3A_48, %lt3A : i32
      %convert_element_type3A = arith.extui %lt3A_49 : i1 to i32
      %cond3A = arith.constant 0 : i32
      %cond3A_50 = arith.cmpi ne, %convert_element_type3A, %cond3A : i32
      scf.if %cond3A_50 {
        %add3A_66 = arith.constant 2 : i32
        %add3A_67 = arith.addi %add3A_41, %add3A_66 : i32
        %dma_start3A_68 = arith.constant 0 : i32
        %dma_start3A_69 = tpu.memref_slice %arg6[%add3A_67, %dma_start3A_68] : memref<160x64xi32, #tpu.memory_space<vmem>> -> memref<1x64xi32, #tpu.memory_space<vmem>>
        %dma_start3A_70 = tpu.memref_squeeze %dma_start3A_69 : memref<1x64xi32, #tpu.memory_space<vmem>> -> memref<64xi32, #tpu.memory_space<vmem>>
        %dma_start3A_71 = arith.constant 0 : i32
        %dma_start3A_72 = arith.constant 0 : i32
        %dma_start3A_73 = tpu.memref_slice %arg2[%dma_start3A_71, %dma_start3A_72] : memref<10000x128xf32, #tpu.memory_space<hbm>> -> memref<10000x128xf32, #tpu.memory_space<hbm>>
        tpu.enqueue_indirect_dma source(%dma_start3A_73 : memref<10000x128xf32, #tpu.memory_space<hbm>>) target(%arg8 : memref<64x128xf32, #tpu.memory_space<vmem>>) offsets(%dma_start3A_70 : memref<64xi32, #tpu.memory_space<vmem>>) semaphore(%arg11 : memref<!tpu.dma_semaphore, #tpu.memory_space<semaphore_mem>>)
      } else {
      }
      %dma_wait3A_51 = arith.constant 0 : i32
      %dma_wait3A_52 = arith.constant 0 : i32
      %dma_wait3A_53 = tpu.memref_slice %arg2[%dma_wait3A_51, %dma_wait3A_52] : memref<10000x128xf32, #tpu.memory_space<hbm>> -> memref<64x128xf32, #tpu.memory_space<hbm>>
      %dma_wait3A_54 = arith.constant 0 : i32
      %dma_wait3A_55 = arith.constant 0 : i32
      %dma_wait3A_56 = tpu.memref_slice %arg2[%dma_wait3A_54, %dma_wait3A_55] : memref<10000x128xf32, #tpu.memory_space<hbm>> -> memref<64x128xf32, #tpu.memory_space<hbm>>
      tpu.wait_dma2 semaphore(%arg12 : memref<!tpu.dma_semaphore, #tpu.memory_space<semaphore_mem>>) src(%dma_wait3A_56 : memref<64x128xf32, #tpu.memory_space<hbm>>) dst(%arg9 : memref<64x128xf32, #tpu.memory_space<vmem>>)
      %add3A_57 = arith.constant 1 : i32
      %add3A_58 = arith.addi %add3A_41, %add3A_57 : i32
      "tpu.region"() ({
        %run_scoped3A = tpu.sem_alloc : memref<!tpu.dma_semaphore, #tpu.memory_space<semaphore_mem>>
        %dma_start3A_66 = arith.constant 0 : i32
        %dma_start3A_67 = tpu.memref_slice %arg7[%add3A_58, %dma_start3A_66] : memref<160x64xi32, #tpu.memory_space<vmem>> -> memref<1x64xi32, #tpu.memory_space<vmem>>
        %dma_start3A_68 = tpu.memref_squeeze %dma_start3A_67 : memref<1x64xi32, #tpu.memory_space<vmem>> -> memref<64xi32, #tpu.memory_space<vmem>>
        %dma_start3A_69 = arith.constant 0 : i32
        %dma_start3A_70 = arith.constant 0 : i32
        %dma_start3A_71 = tpu.memref_slice %arg10[%dma_start3A_69, %dma_start3A_70] : memref<10240x128xf32, #tpu.memory_space<vmem_shared>> -> memref<10240x128xf32, #tpu.memory_space<vmem_shared>>
        tpu.enqueue_indirect_dma source(%arg9 : memref<64x128xf32, #tpu.memory_space<vmem>>) target(%dma_start3A_71 : memref<10240x128xf32, #tpu.memory_space<vmem_shared>>) offsets(%dma_start3A_68 : memref<64xi32, #tpu.memory_space<vmem>>) semaphore(%run_scoped3A : memref<!tpu.dma_semaphore, #tpu.memory_space<semaphore_mem>>) {add = true}
        %dma_wait3A_72 = arith.constant 0 : i32
        %dma_wait3A_73 = tpu.memref_slice %arg7[%add3A_58, %dma_wait3A_72] : memref<160x64xi32, #tpu.memory_space<vmem>> -> memref<1x64xi32, #tpu.memory_space<vmem>>
        %dma_wait3A_74 = tpu.memref_squeeze %dma_wait3A_73 : memref<1x64xi32, #tpu.memory_space<vmem>> -> memref<64xi32, #tpu.memory_space<vmem>>
        %dma_wait3A_75 = arith.constant 0 : i32
        %dma_wait3A_76 = arith.constant 0 : i32
        %dma_wait3A_77 = tpu.memref_slice %arg10[%dma_wait3A_75, %dma_wait3A_76] : memref<10240x128xf32, #tpu.memory_space<vmem_shared>> -> memref<10240x128xf32, #tpu.memory_space<vmem_shared>>
        tpu.wait_indirect_dma semaphore(%run_scoped3A : memref<!tpu.dma_semaphore, #tpu.memory_space<semaphore_mem>>) src(%arg9 : memref<64x128xf32, #tpu.memory_space<vmem>>) dst(%dma_wait3A_77 : memref<10240x128xf32, #tpu.memory_space<vmem_shared>>)
        tpu.yield
      }) : () -> ()
      %add3A_59 = arith.constant 3 : i32
      %add3A_60 = arith.addi %add3A_41, %add3A_59 : i32
      %lt3A_61 = arith.constant 160 : i32
      %lt3A_62 = arith.cmpi slt, %add3A_60, %lt3A_61 : i32
      %convert_element_type3A_63 = arith.extui %lt3A_62 : i1 to i32
      %cond3A_64 = arith.constant 0 : i32
      %cond3A_65 = arith.cmpi ne, %convert_element_type3A_63, %cond3A_64 : i32
      scf.if %cond3A_65 {
        %add3A_66 = arith.constant 3 : i32
        %add3A_67 = arith.addi %add3A_41, %add3A_66 : i32
        %dma_start3A_68 = arith.constant 0 : i32
        %dma_start3A_69 = tpu.memref_slice %arg6[%add3A_67, %dma_start3A_68] : memref<160x64xi32, #tpu.memory_space<vmem>> -> memref<1x64xi32, #tpu.memory_space<vmem>>
        %dma_start3A_70 = tpu.memref_squeeze %dma_start3A_69 : memref<1x64xi32, #tpu.memory_space<vmem>> -> memref<64xi32, #tpu.memory_space<vmem>>
        %dma_start3A_71 = arith.constant 0 : i32
        %dma_start3A_72 = arith.constant 0 : i32
        %dma_start3A_73 = tpu.memref_slice %arg2[%dma_start3A_71, %dma_start3A_72] : memref<10000x128xf32, #tpu.memory_space<hbm>> -> memref<10000x128xf32, #tpu.memory_space<hbm>>
        tpu.enqueue_indirect_dma source(%dma_start3A_73 : memref<10000x128xf32, #tpu.memory_space<hbm>>) target(%arg9 : memref<64x128xf32, #tpu.memory_space<vmem>>) offsets(%dma_start3A_70 : memref<64xi32, #tpu.memory_space<vmem>>) semaphore(%arg12 : memref<!tpu.dma_semaphore, #tpu.memory_space<semaphore_mem>>)
      } else {
      }
    }
    %scan3A_31 = arith.constant 80 : i32
    %barrier3A_32 = arith.constant 0 : index
    tpu.barrier barrier_id(%barrier3A_32)
    %mul3A_33 = arith.constant 640 : i32
    %mul3A_34 = arith.muli %arg1, %mul3A_33 : i32
    %mul3A_35 = arith.constant 640 : i32
    %mul3A_36 = arith.muli %arg1, %mul3A_35 : i32
    "tpu.region"() ({
      %run_scoped3A = tpu.sem_alloc : memref<!tpu.dma_semaphore, #tpu.memory_space<semaphore_mem>>
      %dma_start3A_37 = arith.constant 0 : i32
      %dma_start3A_38 = tpu.memref_slice %arg5[%arg0, %mul3A_36, %dma_start3A_37] : memref<2x10240x128xf32, #tpu.memory_space<hbm>> -> memref<1x640x128xf32, #tpu.memory_space<hbm>>
      %dma_start3A_39 = tpu.memref_squeeze %dma_start3A_38 : memref<1x640x128xf32, #tpu.memory_space<hbm>> -> memref<640x128xf32, #tpu.memory_space<hbm>>
      %dma_start3A_40 = arith.constant 0 : i32
      %dma_start3A_41 = tpu.memref_slice %arg10[%mul3A_34, %dma_start3A_40] : memref<10240x128xf32, #tpu.memory_space<vmem_shared>> -> memref<640x128xf32, #tpu.memory_space<vmem_shared>>
      tpu.enqueue_dma source(%dma_start3A_41 : memref<640x128xf32, #tpu.memory_space<vmem_shared>>) target(%dma_start3A_39 : memref<640x128xf32, #tpu.memory_space<hbm>>) target_semaphore(%run_scoped3A : memref<!tpu.dma_semaphore, #tpu.memory_space<semaphore_mem>>)
      %dma_wait3A = arith.constant 0 : i32
      %dma_wait3A_42 = tpu.memref_slice %arg5[%arg0, %mul3A_36, %dma_wait3A] : memref<2x10240x128xf32, #tpu.memory_space<hbm>> -> memref<1x640x128xf32, #tpu.memory_space<hbm>>
      %dma_wait3A_43 = tpu.memref_squeeze %dma_wait3A_42 : memref<1x640x128xf32, #tpu.memory_space<hbm>> -> memref<640x128xf32, #tpu.memory_space<hbm>>
      %dma_wait3A_44 = arith.constant 0 : i32
      %dma_wait3A_45 = tpu.memref_slice %arg10[%mul3A_34, %dma_wait3A_44] : memref<10240x128xf32, #tpu.memory_space<vmem_shared>> -> memref<640x128xf32, #tpu.memory_space<vmem_shared>>
      tpu.wait_dma2 semaphore(%run_scoped3A : memref<!tpu.dma_semaphore, #tpu.memory_space<semaphore_mem>>) src(%dma_wait3A_45 : memref<640x128xf32, #tpu.memory_space<vmem_shared>>) dst(%dma_wait3A_43 : memref<640x128xf32, #tpu.memory_space<hbm>>)
      tpu.yield
    }) : () -> ()
    return
  }
}

#map = affine_map<(d0, d1) -> (0, 0)>
#map1 = affine_map<(d0, d1) -> (0, 0, 0)>
module attributes {stable_mosaic.version = 14 : i64} {
  func.func @ker(%arg0: i32, %arg1: i32, %arg2: memref<10000x64xf32, #tpu.memory_space<hbm>>, %arg3: memref<2560x128xi32, #tpu.memory_space<hbm>>, %arg4: memref<2560x128xi32, #tpu.memory_space<hbm>>, %arg5: memref<2x10240x64xf32, #tpu.memory_space<hbm>>, %arg6: memref<80x128xi32, #tpu.memory_space<vmem>>, %arg7: memref<80x128xi32, #tpu.memory_space<vmem>>, %arg8: memref<128x64xf32, #tpu.memory_space<vmem>>, %arg9: memref<128x64xf32, #tpu.memory_space<vmem>>, %arg10: memref<10240x64xf32, #tpu.memory_space<vmem_shared>>, %arg11: memref<!tpu.dma_semaphore, #tpu.memory_space<semaphore_mem>>, %arg12: memref<!tpu.dma_semaphore, #tpu.memory_space<semaphore_mem>>) attributes {dimension_semantics = [#tpu.dimension_semantics<core_parallel>, #tpu.dimension_semantics<subcore_parallel>], iteration_bounds = array<i64: 2, 16>, scalar_prefetch = 0 : i64, scratch_operands = 7 : i64, tpu.core_type = #tpu.core_type<sc_vector_subcore>, window_params = [{transform_indices = #map}, {transform_indices = #map}, {transform_indices = #map}, {transform_indices = #map1}]} {
    %mul3A = arith.constant 16 : i32
    %mul3A_0 = arith.muli %arg0, %mul3A : i32
    %add3A = arith.addi %mul3A_0, %arg1 : i32
    %scan3A = arith.constant 0 : i32
    %scan3A_1 = arith.constant 128 : i32
    %scan3A_2 = arith.addi %scan3A, %scan3A_1 : i32
    %scan3A_3 = arith.constant 1 : i32
    scf.for %scan3A_37 = %scan3A to %scan3A_2 step %scan3A_3  : i32 {
      %mul3A_38 = arith.constant 1 : i32
      %mul3A_39 = arith.muli %scan3A_37, %mul3A_38 : i32
      %add3A_40 = arith.constant 0 : i32
      %add3A_41 = arith.addi %add3A_40, %mul3A_39 : i32
      %scan3A_42 = arith.constant 0 : i32
      %scan3A_43 = arith.constant 4 : i32
      %scan3A_44 = arith.addi %scan3A_42, %scan3A_43 : i32
      %scan3A_45 = arith.constant 1 : i32
      scf.for %scan3A_47 = %scan3A_42 to %scan3A_44 step %scan3A_45  : i32 {
        %mul3A_48 = arith.constant 16 : i32
        %mul3A_49 = arith.muli %scan3A_47, %mul3A_48 : i32
        %add3A_50 = arith.constant 0 : i32
        %add3A_51 = arith.addi %add3A_50, %mul3A_49 : i32
        %broadcast_in_dim3A = arith.constant 0.000000e+00 : f32
        %broadcast_in_dim3A_52 = vector.broadcast %broadcast_in_dim3A : f32 to vector<16xf32>
        %swap3A = arith.index_cast %add3A_41 : i32 to index
        %swap3A_53 = arith.index_cast %add3A_51 : i32 to index
        %swap3A_54 = tpu.vector_load %arg8[%swap3A, %swap3A_53] {strides = array<i32>} : memref<128x64xf32, #tpu.memory_space<vmem>>, vector<1x16xf32>,
        %swap3A_55 = vector.shape_cast %swap3A_54 : vector<1x16xf32> to vector<16xf32>
        %swap3A_56 = vector.shape_cast %broadcast_in_dim3A_52 : vector<16xf32> to vector<1x16xf32>
        tpu.vector_store %arg8[%swap3A, %swap3A_53], %swap3A_56 {strides = array<i32>} : memref<128x64xf32, #tpu.memory_space<vmem>>, vector<1x16xf32>,
      }
      %scan3A_46 = arith.constant 4 : i32
    }
    %scan3A_4 = arith.constant 128 : i32
    %scan3A_5 = arith.constant 0 : i32
    %scan3A_6 = arith.constant 5 : i32
    %scan3A_7 = arith.addi %scan3A_5, %scan3A_6 : i32
    %scan3A_8 = arith.constant 1 : i32
    scf.for %scan3A_37 = %scan3A_5 to %scan3A_7 step %scan3A_8  : i32 {
      %mul3A_38 = arith.constant 1 : i32
      %mul3A_39 = arith.muli %scan3A_37, %mul3A_38 : i32
      %add3A_40 = arith.constant 0 : i32
      %add3A_41 = arith.addi %add3A_40, %mul3A_39 : i32
      %mul3A_42 = arith.constant 640 : i32
      %mul3A_43 = arith.muli %arg1, %mul3A_42 : i32
      %mul3A_44 = arith.constant 128 : i32
      %mul3A_45 = arith.muli %add3A_41, %mul3A_44 : i32
      %add3A_46 = arith.addi %mul3A_43, %mul3A_45 : i32
      "tpu.region"() ({
        %run_scoped3A = tpu.sem_alloc : memref<!tpu.dma_semaphore, #tpu.memory_space<semaphore_mem>>
        %dma_start3A_47 = arith.constant 0 : i32
        %dma_start3A_48 = tpu.memref_slice %arg10[%add3A_46, %dma_start3A_47] : memref<10240x64xf32, #tpu.memory_space<vmem_shared>> -> memref<128x64xf32, #tpu.memory_space<vmem_shared>>
        %dma_start3A_49 = arith.constant 0 : i32
        %dma_start3A_50 = tpu.memref_slice %arg10[%add3A_46, %dma_start3A_49] : memref<10240x64xf32, #tpu.memory_space<vmem_shared>> -> memref<128x64xf32, #tpu.memory_space<vmem_shared>>
        tpu.enqueue_dma source(%arg8 : memref<128x64xf32, #tpu.memory_space<vmem>>) target(%dma_start3A_50 : memref<128x64xf32, #tpu.memory_space<vmem_shared>>) target_semaphore(%run_scoped3A : memref<!tpu.dma_semaphore, #tpu.memory_space<semaphore_mem>>)
        %dma_wait3A = arith.constant 0 : i32
        %dma_wait3A_51 = tpu.memref_slice %arg10[%add3A_46, %dma_wait3A] : memref<10240x64xf32, #tpu.memory_space<vmem_shared>> -> memref<128x64xf32, #tpu.memory_space<vmem_shared>>
        %dma_wait3A_52 = arith.constant 0 : i32
        %dma_wait3A_53 = tpu.memref_slice %arg10[%add3A_46, %dma_wait3A_52] : memref<10240x64xf32, #tpu.memory_space<vmem_shared>> -> memref<128x64xf32, #tpu.memory_space<vmem_shared>>
        tpu.wait_dma2 semaphore(%run_scoped3A : memref<!tpu.dma_semaphore, #tpu.memory_space<semaphore_mem>>) src(%arg8 : memref<128x64xf32, #tpu.memory_space<vmem>>) dst(%dma_wait3A_53 : memref<128x64xf32, #tpu.memory_space<vmem_shared>>)
        tpu.yield
      }) : () -> ()
    }
    %scan3A_9 = arith.constant 5 : i32
    %mul3A_10 = arith.constant 80 : i32
    %mul3A_11 = arith.muli %add3A, %mul3A_10 : i32
    "tpu.region"() ({
      %run_scoped3A = tpu.sem_alloc : memref<!tpu.dma_semaphore, #tpu.memory_space<semaphore_mem>>
      %dma_start3A_37 = arith.constant 0 : i32
      %dma_start3A_38 = tpu.memref_slice %arg3[%mul3A_11, %dma_start3A_37] : memref<2560x128xi32, #tpu.memory_space<hbm>> -> memref<80x128xi32, #tpu.memory_space<hbm>>
      %dma_start3A_39 = arith.constant 0 : i32
      %dma_start3A_40 = tpu.memref_slice %arg3[%mul3A_11, %dma_start3A_39] : memref<2560x128xi32, #tpu.memory_space<hbm>> -> memref<80x128xi32, #tpu.memory_space<hbm>>
      tpu.enqueue_dma source(%dma_start3A_40 : memref<80x128xi32, #tpu.memory_space<hbm>>) target(%arg6 : memref<80x128xi32, #tpu.memory_space<vmem>>) target_semaphore(%run_scoped3A : memref<!tpu.dma_semaphore, #tpu.memory_space<semaphore_mem>>)
      %dma_wait3A = arith.constant 0 : i32
      %dma_wait3A_41 = tpu.memref_slice %arg3[%mul3A_11, %dma_wait3A] : memref<2560x128xi32, #tpu.memory_space<hbm>> -> memref<80x128xi32, #tpu.memory_space<hbm>>
      %dma_wait3A_42 = arith.constant 0 : i32
      %dma_wait3A_43 = tpu.memref_slice %arg3[%mul3A_11, %dma_wait3A_42] : memref<2560x128xi32, #tpu.memory_space<hbm>> -> memref<80x128xi32, #tpu.memory_space<hbm>>
      tpu.wait_dma2 semaphore(%run_scoped3A : memref<!tpu.dma_semaphore, #tpu.memory_space<semaphore_mem>>) src(%dma_wait3A_43 : memref<80x128xi32, #tpu.memory_space<hbm>>) dst(%arg6 : memref<80x128xi32, #tpu.memory_space<vmem>>)
      tpu.yield
    }) : () -> ()
    %mul3A_12 = arith.constant 80 : i32
    %mul3A_13 = arith.muli %add3A, %mul3A_12 : i32
    "tpu.region"() ({
      %run_scoped3A = tpu.sem_alloc : memref<!tpu.dma_semaphore, #tpu.memory_space<semaphore_mem>>
      %dma_start3A_37 = arith.constant 0 : i32
      %dma_start3A_38 = tpu.memref_slice %arg4[%mul3A_13, %dma_start3A_37] : memref<2560x128xi32, #tpu.memory_space<hbm>> -> memref<80x128xi32, #tpu.memory_space<hbm>>
      %dma_start3A_39 = arith.constant 0 : i32
      %dma_start3A_40 = tpu.memref_slice %arg4[%mul3A_13, %dma_start3A_39] : memref<2560x128xi32, #tpu.memory_space<hbm>> -> memref<80x128xi32, #tpu.memory_space<hbm>>
      tpu.enqueue_dma source(%dma_start3A_40 : memref<80x128xi32, #tpu.memory_space<hbm>>) target(%arg7 : memref<80x128xi32, #tpu.memory_space<vmem>>) target_semaphore(%run_scoped3A : memref<!tpu.dma_semaphore, #tpu.memory_space<semaphore_mem>>)
      %dma_wait3A = arith.constant 0 : i32
      %dma_wait3A_41 = tpu.memref_slice %arg4[%mul3A_13, %dma_wait3A] : memref<2560x128xi32, #tpu.memory_space<hbm>> -> memref<80x128xi32, #tpu.memory_space<hbm>>
      %dma_wait3A_42 = arith.constant 0 : i32
      %dma_wait3A_43 = tpu.memref_slice %arg4[%mul3A_13, %dma_wait3A_42] : memref<2560x128xi32, #tpu.memory_space<hbm>> -> memref<80x128xi32, #tpu.memory_space<hbm>>
      tpu.wait_dma2 semaphore(%run_scoped3A : memref<!tpu.dma_semaphore, #tpu.memory_space<semaphore_mem>>) src(%dma_wait3A_43 : memref<80x128xi32, #tpu.memory_space<hbm>>) dst(%arg7 : memref<80x128xi32, #tpu.memory_space<vmem>>)
      tpu.yield
    }) : () -> ()
    %barrier3A = arith.constant 0 : index
    tpu.barrier barrier_id(%barrier3A)
    %dma_start3A = arith.constant 0 : i32
    %dma_start3A_14 = arith.constant 0 : i32
    %dma_start3A_15 = tpu.memref_slice %arg6[%dma_start3A, %dma_start3A_14] : memref<80x128xi32, #tpu.memory_space<vmem>> -> memref<1x128xi32, #tpu.memory_space<vmem>>
    %dma_start3A_16 = tpu.memref_squeeze %dma_start3A_15 : memref<1x128xi32, #tpu.memory_space<vmem>> -> memref<128xi32, #tpu.memory_space<vmem>>
    %dma_start3A_17 = arith.constant 0 : i32
    %dma_start3A_18 = arith.constant 0 : i32
    %dma_start3A_19 = tpu.memref_slice %arg2[%dma_start3A_17, %dma_start3A_18] : memref<10000x64xf32, #tpu.memory_space<hbm>> -> memref<10000x64xf32, #tpu.memory_space<hbm>>
    tpu.enqueue_indirect_dma source(%dma_start3A_19 : memref<10000x64xf32, #tpu.memory_space<hbm>>) target(%arg8 : memref<128x64xf32, #tpu.memory_space<vmem>>) offsets(%dma_start3A_16 : memref<128xi32, #tpu.memory_space<vmem>>) semaphore(%arg11 : memref<!tpu.dma_semaphore, #tpu.memory_space<semaphore_mem>>)
    %dma_start3A_20 = arith.constant 1 : i32
    %dma_start3A_21 = arith.constant 0 : i32
    %dma_start3A_22 = tpu.memref_slice %arg6[%dma_start3A_20, %dma_start3A_21] : memref<80x128xi32, #tpu.memory_space<vmem>> -> memref<1x128xi32, #tpu.memory_space<vmem>>
    %dma_start3A_23 = tpu.memref_squeeze %dma_start3A_22 : memref<1x128xi32, #tpu.memory_space<vmem>> -> memref<128xi32, #tpu.memory_space<vmem>>
    %dma_start3A_24 = arith.constant 0 : i32
    %dma_start3A_25 = arith.constant 0 : i32
    %dma_start3A_26 = tpu.memref_slice %arg2[%dma_start3A_24, %dma_start3A_25] : memref<10000x64xf32, #tpu.memory_space<hbm>> -> memref<10000x64xf32, #tpu.memory_space<hbm>>
    tpu.enqueue_indirect_dma source(%dma_start3A_26 : memref<10000x64xf32, #tpu.memory_space<hbm>>) target(%arg9 : memref<128x64xf32, #tpu.memory_space<vmem>>) offsets(%dma_start3A_23 : memref<128xi32, #tpu.memory_space<vmem>>) semaphore(%arg12 : memref<!tpu.dma_semaphore, #tpu.memory_space<semaphore_mem>>)
    %scan3A_27 = arith.constant 0 : i32
    %scan3A_28 = arith.constant 40 : i32
    %scan3A_29 = arith.addi %scan3A_27, %scan3A_28 : i32
    %scan3A_30 = arith.constant 1 : i32
    scf.for %scan3A_37 = %scan3A_27 to %scan3A_29 step %scan3A_30  : i32 {
      %mul3A_38 = arith.constant 2 : i32
      %mul3A_39 = arith.muli %scan3A_37, %mul3A_38 : i32
      %add3A_40 = arith.constant 0 : i32
      %add3A_41 = arith.addi %add3A_40, %mul3A_39 : i32
      %dma_wait3A = arith.constant 0 : i32
      %dma_wait3A_42 = arith.constant 0 : i32
      %dma_wait3A_43 = tpu.memref_slice %arg2[%dma_wait3A, %dma_wait3A_42] : memref<10000x64xf32, #tpu.memory_space<hbm>> -> memref<128x64xf32, #tpu.memory_space<hbm>>
      %dma_wait3A_44 = arith.constant 0 : i32
      %dma_wait3A_45 = arith.constant 0 : i32
      %dma_wait3A_46 = tpu.memref_slice %arg2[%dma_wait3A_44, %dma_wait3A_45] : memref<10000x64xf32, #tpu.memory_space<hbm>> -> memref<128x64xf32, #tpu.memory_space<hbm>>
      tpu.wait_dma2 semaphore(%arg11 : memref<!tpu.dma_semaphore, #tpu.memory_space<semaphore_mem>>) src(%dma_wait3A_46 : memref<128x64xf32, #tpu.memory_space<hbm>>) dst(%arg8 : memref<128x64xf32, #tpu.memory_space<vmem>>)
      "tpu.region"() ({
        %run_scoped3A = tpu.sem_alloc : memref<!tpu.dma_semaphore, #tpu.memory_space<semaphore_mem>>
        %dma_start3A_66 = arith.constant 0 : i32
        %dma_start3A_67 = tpu.memref_slice %arg7[%add3A_41, %dma_start3A_66] : memref<80x128xi32, #tpu.memory_space<vmem>> -> memref<1x128xi32, #tpu.memory_space<vmem>>
        %dma_start3A_68 = tpu.memref_squeeze %dma_start3A_67 : memref<1x128xi32, #tpu.memory_space<vmem>> -> memref<128xi32, #tpu.memory_space<vmem>>
        %dma_start3A_69 = arith.constant 0 : i32
        %dma_start3A_70 = arith.constant 0 : i32
        %dma_start3A_71 = tpu.memref_slice %arg10[%dma_start3A_69, %dma_start3A_70] : memref<10240x64xf32, #tpu.memory_space<vmem_shared>> -> memref<10240x64xf32, #tpu.memory_space<vmem_shared>>
        tpu.enqueue_indirect_dma source(%arg8 : memref<128x64xf32, #tpu.memory_space<vmem>>) target(%dma_start3A_71 : memref<10240x64xf32, #tpu.memory_space<vmem_shared>>) offsets(%dma_start3A_68 : memref<128xi32, #tpu.memory_space<vmem>>) semaphore(%run_scoped3A : memref<!tpu.dma_semaphore, #tpu.memory_space<semaphore_mem>>) {add = true}
        %dma_wait3A_72 = arith.constant 0 : i32
        %dma_wait3A_73 = tpu.memref_slice %arg7[%add3A_41, %dma_wait3A_72] : memref<80x128xi32, #tpu.memory_space<vmem>> -> memref<1x128xi32, #tpu.memory_space<vmem>>
        %dma_wait3A_74 = tpu.memref_squeeze %dma_wait3A_73 : memref<1x128xi32, #tpu.memory_space<vmem>> -> memref<128xi32, #tpu.memory_space<vmem>>
        %dma_wait3A_75 = arith.constant 0 : i32
        %dma_wait3A_76 = arith.constant 0 : i32
        %dma_wait3A_77 = tpu.memref_slice %arg10[%dma_wait3A_75, %dma_wait3A_76] : memref<10240x64xf32, #tpu.memory_space<vmem_shared>> -> memref<10240x64xf32, #tpu.memory_space<vmem_shared>>
        tpu.wait_indirect_dma semaphore(%run_scoped3A : memref<!tpu.dma_semaphore, #tpu.memory_space<semaphore_mem>>) src(%arg8 : memref<128x64xf32, #tpu.memory_space<vmem>>) dst(%dma_wait3A_77 : memref<10240x64xf32, #tpu.memory_space<vmem_shared>>)
        tpu.yield
      }) : () -> ()
      %add3A_47 = arith.constant 2 : i32
      %add3A_48 = arith.addi %add3A_41, %add3A_47 : i32
      %lt3A = arith.constant 80 : i32
      %lt3A_49 = arith.cmpi slt, %add3A_48, %lt3A : i32
      %convert_element_type3A = arith.extui %lt3A_49 : i1 to i32
      %cond3A = arith.constant 0 : i32
      %cond3A_50 = arith.cmpi ne, %convert_element_type3A, %cond3A : i32
      scf.if %cond3A_50 {
        %add3A_66 = arith.constant 2 : i32
        %add3A_67 = arith.addi %add3A_41, %add3A_66 : i32
        %dma_start3A_68 = arith.constant 0 : i32
        %dma_start3A_69 = tpu.memref_slice %arg6[%add3A_67, %dma_start3A_68] : memref<80x128xi32, #tpu.memory_space<vmem>> -> memref<1x128xi32, #tpu.memory_space<vmem>>
        %dma_start3A_70 = tpu.memref_squeeze %dma_start3A_69 : memref<1x128xi32, #tpu.memory_space<vmem>> -> memref<128xi32, #tpu.memory_space<vmem>>
        %dma_start3A_71 = arith.constant 0 : i32
        %dma_start3A_72 = arith.constant 0 : i32
        %dma_start3A_73 = tpu.memref_slice %arg2[%dma_start3A_71, %dma_start3A_72] : memref<10000x64xf32, #tpu.memory_space<hbm>> -> memref<10000x64xf32, #tpu.memory_space<hbm>>
        tpu.enqueue_indirect_dma source(%dma_start3A_73 : memref<10000x64xf32, #tpu.memory_space<hbm>>) target(%arg8 : memref<128x64xf32, #tpu.memory_space<vmem>>) offsets(%dma_start3A_70 : memref<128xi32, #tpu.memory_space<vmem>>) semaphore(%arg11 : memref<!tpu.dma_semaphore, #tpu.memory_space<semaphore_mem>>)
      } else {
      }
      %dma_wait3A_51 = arith.constant 0 : i32
      %dma_wait3A_52 = arith.constant 0 : i32
      %dma_wait3A_53 = tpu.memref_slice %arg2[%dma_wait3A_51, %dma_wait3A_52] : memref<10000x64xf32, #tpu.memory_space<hbm>> -> memref<128x64xf32, #tpu.memory_space<hbm>>
      %dma_wait3A_54 = arith.constant 0 : i32
      %dma_wait3A_55 = arith.constant 0 : i32
      %dma_wait3A_56 = tpu.memref_slice %arg2[%dma_wait3A_54, %dma_wait3A_55] : memref<10000x64xf32, #tpu.memory_space<hbm>> -> memref<128x64xf32, #tpu.memory_space<hbm>>
      tpu.wait_dma2 semaphore(%arg12 : memref<!tpu.dma_semaphore, #tpu.memory_space<semaphore_mem>>) src(%dma_wait3A_56 : memref<128x64xf32, #tpu.memory_space<hbm>>) dst(%arg9 : memref<128x64xf32, #tpu.memory_space<vmem>>)
      %add3A_57 = arith.constant 1 : i32
      %add3A_58 = arith.addi %add3A_41, %add3A_57 : i32
      "tpu.region"() ({
        %run_scoped3A = tpu.sem_alloc : memref<!tpu.dma_semaphore, #tpu.memory_space<semaphore_mem>>
        %dma_start3A_66 = arith.constant 0 : i32
        %dma_start3A_67 = tpu.memref_slice %arg7[%add3A_58, %dma_start3A_66] : memref<80x128xi32, #tpu.memory_space<vmem>> -> memref<1x128xi32, #tpu.memory_space<vmem>>
        %dma_start3A_68 = tpu.memref_squeeze %dma_start3A_67 : memref<1x128xi32, #tpu.memory_space<vmem>> -> memref<128xi32, #tpu.memory_space<vmem>>
        %dma_start3A_69 = arith.constant 0 : i32
        %dma_start3A_70 = arith.constant 0 : i32
        %dma_start3A_71 = tpu.memref_slice %arg10[%dma_start3A_69, %dma_start3A_70] : memref<10240x64xf32, #tpu.memory_space<vmem_shared>> -> memref<10240x64xf32, #tpu.memory_space<vmem_shared>>
        tpu.enqueue_indirect_dma source(%arg9 : memref<128x64xf32, #tpu.memory_space<vmem>>) target(%dma_start3A_71 : memref<10240x64xf32, #tpu.memory_space<vmem_shared>>) offsets(%dma_start3A_68 : memref<128xi32, #tpu.memory_space<vmem>>) semaphore(%run_scoped3A : memref<!tpu.dma_semaphore, #tpu.memory_space<semaphore_mem>>) {add = true}
        %dma_wait3A_72 = arith.constant 0 : i32
        %dma_wait3A_73 = tpu.memref_slice %arg7[%add3A_58, %dma_wait3A_72] : memref<80x128xi32, #tpu.memory_space<vmem>> -> memref<1x128xi32, #tpu.memory_space<vmem>>
        %dma_wait3A_74 = tpu.memref_squeeze %dma_wait3A_73 : memref<1x128xi32, #tpu.memory_space<vmem>> -> memref<128xi32, #tpu.memory_space<vmem>>
        %dma_wait3A_75 = arith.constant 0 : i32
        %dma_wait3A_76 = arith.constant 0 : i32
        %dma_wait3A_77 = tpu.memref_slice %arg10[%dma_wait3A_75, %dma_wait3A_76] : memref<10240x64xf32, #tpu.memory_space<vmem_shared>> -> memref<10240x64xf32, #tpu.memory_space<vmem_shared>>
        tpu.wait_indirect_dma semaphore(%run_scoped3A : memref<!tpu.dma_semaphore, #tpu.memory_space<semaphore_mem>>) src(%arg9 : memref<128x64xf32, #tpu.memory_space<vmem>>) dst(%dma_wait3A_77 : memref<10240x64xf32, #tpu.memory_space<vmem_shared>>)
        tpu.yield
      }) : () -> ()
      %add3A_59 = arith.constant 3 : i32
      %add3A_60 = arith.addi %add3A_41, %add3A_59 : i32
      %lt3A_61 = arith.constant 80 : i32
      %lt3A_62 = arith.cmpi slt, %add3A_60, %lt3A_61 : i32
      %convert_element_type3A_63 = arith.extui %lt3A_62 : i1 to i32
      %cond3A_64 = arith.constant 0 : i32
      %cond3A_65 = arith.cmpi ne, %convert_element_type3A_63, %cond3A_64 : i32
      scf.if %cond3A_65 {
        %add3A_66 = arith.constant 3 : i32
        %add3A_67 = arith.addi %add3A_41, %add3A_66 : i32
        %dma_start3A_68 = arith.constant 0 : i32
        %dma_start3A_69 = tpu.memref_slice %arg6[%add3A_67, %dma_start3A_68] : memref<80x128xi32, #tpu.memory_space<vmem>> -> memref<1x128xi32, #tpu.memory_space<vmem>>
        %dma_start3A_70 = tpu.memref_squeeze %dma_start3A_69 : memref<1x128xi32, #tpu.memory_space<vmem>> -> memref<128xi32, #tpu.memory_space<vmem>>
        %dma_start3A_71 = arith.constant 0 : i32
        %dma_start3A_72 = arith.constant 0 : i32
        %dma_start3A_73 = tpu.memref_slice %arg2[%dma_start3A_71, %dma_start3A_72] : memref<10000x64xf32, #tpu.memory_space<hbm>> -> memref<10000x64xf32, #tpu.memory_space<hbm>>
        tpu.enqueue_indirect_dma source(%dma_start3A_73 : memref<10000x64xf32, #tpu.memory_space<hbm>>) target(%arg9 : memref<128x64xf32, #tpu.memory_space<vmem>>) offsets(%dma_start3A_70 : memref<128xi32, #tpu.memory_space<vmem>>) semaphore(%arg12 : memref<!tpu.dma_semaphore, #tpu.memory_space<semaphore_mem>>)
      } else {
      }
    }
    %scan3A_31 = arith.constant 40 : i32
    %barrier3A_32 = arith.constant 0 : index
    tpu.barrier barrier_id(%barrier3A_32)
    %mul3A_33 = arith.constant 640 : i32
    %mul3A_34 = arith.muli %arg1, %mul3A_33 : i32
    %mul3A_35 = arith.constant 640 : i32
    %mul3A_36 = arith.muli %arg1, %mul3A_35 : i32
    "tpu.region"() ({
      %run_scoped3A = tpu.sem_alloc : memref<!tpu.dma_semaphore, #tpu.memory_space<semaphore_mem>>
      %dma_start3A_37 = arith.constant 0 : i32
      %dma_start3A_38 = tpu.memref_slice %arg5[%arg0, %mul3A_36, %dma_start3A_37] : memref<2x10240x64xf32, #tpu.memory_space<hbm>> -> memref<1x640x64xf32, #tpu.memory_space<hbm>>
      %dma_start3A_39 = tpu.memref_squeeze %dma_start3A_38 : memref<1x640x64xf32, #tpu.memory_space<hbm>> -> memref<640x64xf32, #tpu.memory_space<hbm>>
      %dma_start3A_40 = arith.constant 0 : i32
      %dma_start3A_41 = tpu.memref_slice %arg10[%mul3A_34, %dma_start3A_40] : memref<10240x64xf32, #tpu.memory_space<vmem_shared>> -> memref<640x64xf32, #tpu.memory_space<vmem_shared>>
      tpu.enqueue_dma source(%dma_start3A_41 : memref<640x64xf32, #tpu.memory_space<vmem_shared>>) target(%dma_start3A_39 : memref<640x64xf32, #tpu.memory_space<hbm>>) target_semaphore(%run_scoped3A : memref<!tpu.dma_semaphore, #tpu.memory_space<semaphore_mem>>)
      %dma_wait3A = arith.constant 0 : i32
      %dma_wait3A_42 = tpu.memref_slice %arg5[%arg0, %mul3A_36, %dma_wait3A] : memref<2x10240x64xf32, #tpu.memory_space<hbm>> -> memref<1x640x64xf32, #tpu.memory_space<hbm>>
      %dma_wait3A_43 = tpu.memref_squeeze %dma_wait3A_42 : memref<1x640x64xf32, #tpu.memory_space<hbm>> -> memref<640x64xf32, #tpu.memory_space<hbm>>
      %dma_wait3A_44 = arith.constant 0 : i32
      %dma_wait3A_45 = tpu.memref_slice %arg10[%mul3A_34, %dma_wait3A_44] : memref<10240x64xf32, #tpu.memory_space<vmem_shared>> -> memref<640x64xf32, #tpu.memory_space<vmem_shared>>
      tpu.wait_dma2 semaphore(%run_scoped3A : memref<!tpu.dma_semaphore, #tpu.memory_space<semaphore_mem>>) src(%dma_wait3A_45 : memref<640x64xf32, #tpu.memory_space<vmem_shared>>) dst(%dma_wait3A_43 : memref<640x64xf32, #tpu.memory_space<hbm>>)
      tpu.yield
    }) : () -> ()
    return
  }
}

module attributes {stable_mosaic.version = 14 : i64} {
  func.func @_layer_body(%arg0: memref<10000x128xf32, #tpu.memory_space<vmem>>, %arg1: memref<2x10240x128xf32, #tpu.memory_space<vmem>>, %arg2: memref<128x64xf32, #tpu.memory_space<vmem>>, %arg3: memref<1x64xf32, #tpu.memory_space<vmem>>, %arg4: memref<64x64xf32, #tpu.memory_space<vmem>>, %arg5: memref<1x64xf32, #tpu.memory_space<vmem>>, %arg6: memref<1x64xf32, #tpu.memory_space<vmem>>, %arg7: memref<1x64xf32, #tpu.memory_space<vmem>>, %arg8: memref<10000x64xf32, #tpu.memory_space<vmem>>) attributes {dimension_semantics = [], scalar_prefetch = 0 : i64, scratch_operands = 0 : i64, tpu.core_type = #tpu.core_type<tc>} {
    %get3A = arith.constant 0 : index
    %get3A_0 = arith.constant 0 : index
    %get3A_1 = arith.constant 0 : index
    %get3A_2 = vector.load %arg1[%get3A, %get3A_0, %get3A_1] : memref<2x10240x128xf32, #tpu.memory_space<vmem>>, vector<1x10000x128xf32>
    %get3A_3 = vector.shape_cast %get3A_2 : vector<1x10000x128xf32> to vector<10000x128xf32>
    %get3A_4 = arith.constant 1 : index
    %get3A_5 = arith.constant 0 : index
    %get3A_6 = arith.constant 0 : index
    %get3A_7 = vector.load %arg1[%get3A_4, %get3A_5, %get3A_6] : memref<2x10240x128xf32, #tpu.memory_space<vmem>>, vector<1x10000x128xf32>
    %get3A_8 = vector.shape_cast %get3A_7 : vector<1x10000x128xf32> to vector<10000x128xf32>
    %add3A = arith.addf %get3A_3, %get3A_8 : vector<10000x128xf32>
    %get3A_9 = arith.constant 0 : index
    %get3A_10 = arith.constant 0 : index
    %get3A_11 = vector.load %arg0[%get3A_9, %get3A_10] : memref<10000x128xf32, #tpu.memory_space<vmem>>, vector<10000x128xf32>
    %add3A_12 = arith.addf %get3A_11, %add3A : vector<10000x128xf32>
    %get3A_13 = arith.constant 0 : index
    %get3A_14 = arith.constant 0 : index
    %get3A_15 = vector.load %arg2[%get3A_13, %get3A_14] : memref<128x64xf32, #tpu.memory_space<vmem>>, vector<128x64xf32>
    %dot_general3A = arith.constant dense<0.000000e+00> : vector<10000x64xf32>
    %dot_general3A_16 = tpu.matmul %add3A_12, %get3A_15, %dot_general3A {dimension_numbers = #tpu.dot_dimension_numbers<[1], [0], [0], [1], [0, 0, 1, 1], [], []>, transpose_lhs_hint = false} : vector<10000x128xf32>, vector<128x64xf32>, vector<10000x64xf32> -> vector<10000x64xf32>
    %get3A_17 = arith.constant 0 : index
    %get3A_18 = arith.constant 0 : index
    %get3A_19 = vector.load %arg3[%get3A_17, %get3A_18] : memref<1x64xf32, #tpu.memory_space<vmem>>, vector<1x64xf32>
    %add3A_20 = vector.broadcast %get3A_19 : vector<1x64xf32> to vector<10000x64xf32>
    %add3A_21 = arith.addf %dot_general3A_16, %add3A_20 : vector<10000x64xf32>
    %max3A = arith.constant 0.000000e+00 : f32
    %max3A_22 = vector.broadcast %max3A : f32 to vector<10000x64xf32>
    %max3A_23 = arith.maximumf %add3A_21, %max3A_22 : vector<10000x64xf32>
    %get3A_24 = arith.constant 0 : index
    %get3A_25 = arith.constant 0 : index
    %get3A_26 = vector.load %arg4[%get3A_24, %get3A_25] : memref<64x64xf32, #tpu.memory_space<vmem>>, vector<64x64xf32>
    %dot_general3A_27 = arith.constant dense<0.000000e+00> : vector<10000x64xf32>
    %dot_general3A_28 = tpu.matmul %max3A_23, %get3A_26, %dot_general3A_27 {dimension_numbers = #tpu.dot_dimension_numbers<[1], [0], [0], [1], [0, 0, 1, 1], [], []>, transpose_lhs_hint = false} : vector<10000x64xf32>, vector<64x64xf32>, vector<10000x64xf32> -> vector<10000x64xf32>
    %get3A_29 = arith.constant 0 : index
    %get3A_30 = arith.constant 0 : index
    %get3A_31 = vector.load %arg5[%get3A_29, %get3A_30] : memref<1x64xf32, #tpu.memory_space<vmem>>, vector<1x64xf32>
    %add3A_32 = vector.broadcast %get3A_31 : vector<1x64xf32> to vector<10000x64xf32>
    %add3A_33 = arith.addf %dot_general3A_28, %add3A_32 : vector<10000x64xf32>
    %reduce_sum3A = arith.constant dense<0.000000e+00> : vector<64xf32>
    %reduce_sum3A_34 = vector.multi_reduction <add>, %add3A_33, %reduce_sum3A [0] : vector<10000x64xf32> to vector<64xf32>
    %broadcast_in_dim3A = vector.shape_cast %reduce_sum3A_34 : vector<64xf32> to vector<1x64xf32>
    %div3A = arith.constant 1.000000e+04 : f32
    %div3A_35 = vector.broadcast %div3A : f32 to vector<1x64xf32>
    %div3A_36 = arith.divf %broadcast_in_dim3A, %div3A_35 : vector<1x64xf32>
    %sub3A = vector.broadcast %div3A_36 : vector<1x64xf32> to vector<10000x64xf32>
    %sub3A_37 = arith.subf %add3A_33, %sub3A : vector<10000x64xf32>
    %integer_pow3A = arith.mulf %sub3A_37, %sub3A_37 : vector<10000x64xf32>
    %reduce_sum3A_38 = arith.constant dense<0.000000e+00> : vector<64xf32>
    %reduce_sum3A_39 = vector.multi_reduction <add>, %integer_pow3A, %reduce_sum3A_38 [0] : vector<10000x64xf32> to vector<64xf32>
    %broadcast_in_dim3A_40 = vector.shape_cast %reduce_sum3A_39 : vector<64xf32> to vector<1x64xf32>
    %div3A_41 = arith.constant 1.000000e+04 : f32
    %div3A_42 = vector.broadcast %div3A_41 : f32 to vector<1x64xf32>
    %div3A_43 = arith.divf %broadcast_in_dim3A_40, %div3A_42 : vector<1x64xf32>
    %sub3A_44 = vector.broadcast %div3A_36 : vector<1x64xf32> to vector<10000x64xf32>
    %sub3A_45 = arith.subf %add3A_33, %sub3A_44 : vector<10000x64xf32>
    %add3A_46 = arith.constant 9.99999974E-6 : f32
    %add3A_47 = vector.broadcast %add3A_46 : f32 to vector<1x64xf32>
    %add3A_48 = arith.addf %div3A_43, %add3A_47 : vector<1x64xf32>
    %sqrt3A = math.sqrt %add3A_48 : vector<1x64xf32>
    %div3A_49 = vector.broadcast %sqrt3A : vector<1x64xf32> to vector<10000x64xf32>
    %div3A_50 = arith.divf %sub3A_45, %div3A_49 : vector<10000x64xf32>
    %get3A_51 = arith.constant 0 : index
    %get3A_52 = arith.constant 0 : index
    %get3A_53 = vector.load %arg6[%get3A_51, %get3A_52] : memref<1x64xf32, #tpu.memory_space<vmem>>, vector<1x64xf32>
    %mul3A = vector.broadcast %get3A_53 : vector<1x64xf32> to vector<10000x64xf32>
    %mul3A_54 = arith.mulf %div3A_50, %mul3A : vector<10000x64xf32>
    %get3A_55 = arith.constant 0 : index
    %get3A_56 = arith.constant 0 : index
    %get3A_57 = vector.load %arg7[%get3A_55, %get3A_56] : memref<1x64xf32, #tpu.memory_space<vmem>>, vector<1x64xf32>
    %add3A_58 = vector.broadcast %get3A_57 : vector<1x64xf32> to vector<10000x64xf32>
    %add3A_59 = arith.addf %mul3A_54, %add3A_58 : vector<10000x64xf32>
    %max3A_60 = arith.constant 0.000000e+00 : f32
    %max3A_61 = vector.broadcast %max3A_60 : f32 to vector<10000x64xf32>
    %max3A_62 = arith.maximumf %add3A_59, %max3A_61 : vector<10000x64xf32>
    %swap3A = arith.constant 0 : index
    %swap3A_63 = arith.constant 0 : index
    %swap3A_64 = vector.load %arg8[%swap3A, %swap3A_63] : memref<10000x64xf32, #tpu.memory_space<vmem>>, vector<10000x64xf32>
    tpu.vector_store %arg8[%swap3A, %swap3A_63], %max3A_62 {strides = array<i32>} : memref<10000x64xf32, #tpu.memory_space<vmem>>, vector<10000x64xf32>,
    return
  }
}

module attributes {stable_mosaic.version = 14 : i64} {
  func.func @_stage_c_body(%arg0: memref<10000x64xf32, #tpu.memory_space<vmem>>, %arg1: memref<2x10240x64xf32, #tpu.memory_space<vmem>>, %arg2: memref<64x64xf32, #tpu.memory_space<vmem>>, %arg3: memref<1x64xf32, #tpu.memory_space<vmem>>, %arg4: memref<64x64xf32, #tpu.memory_space<vmem>>, %arg5: memref<1x64xf32, #tpu.memory_space<vmem>>, %arg6: memref<1x64xf32, #tpu.memory_space<vmem>>, %arg7: memref<1x64xf32, #tpu.memory_space<vmem>>, %arg8: memref<512xi32, #tpu.memory_space<smem>>, %arg9: memref<64x64xf32, #tpu.memory_space<vmem>>, %arg10: memref<64x64xf32, #tpu.memory_space<vmem>>, %arg11: memref<1x64xf32, #tpu.memory_space<vmem>>, %arg12: memref<64x64xf32, #tpu.memory_space<vmem>>, %arg13: memref<1x64xf32, #tpu.memory_space<vmem>>, %arg14: memref<1x64xf32, #tpu.memory_space<vmem>>, %arg15: memref<1x1xf32, #tpu.memory_space<vmem>>, %arg16: memref<64x64xf32, #tpu.memory_space<vmem>>, %arg17: memref<64x64xf32, #tpu.memory_space<vmem>>, %arg18: memref<1x64xf32, #tpu.memory_space<vmem>>, %arg19: memref<64x64xf32, #tpu.memory_space<vmem>>, %arg20: memref<1x64xf32, #tpu.memory_space<vmem>>, %arg21: memref<1x64xf32, #tpu.memory_space<vmem>>, %arg22: memref<1x1xf32, #tpu.memory_space<vmem>>, %arg23: memref<1x1xi32, #tpu.memory_space<vmem>>, %arg24: memref<512x1xf32, #tpu.memory_space<vmem>>, %arg25: memref<1x1xf32, #tpu.memory_space<vmem>>, %arg26: memref<10000x64xf32, #tpu.memory_space<vmem>>, %arg27: memref<512x64xf32, #tpu.memory_space<vmem>>) attributes {dimension_semantics = [], scalar_prefetch = 0 : i64, scratch_operands = 2 : i64, tpu.core_type = #tpu.core_type<tc>} {
    %get3A = arith.constant 0 : index
    %get3A_0 = arith.constant 0 : index
    %get3A_1 = arith.constant 0 : index
    %get3A_2 = vector.load %arg1[%get3A, %get3A_0, %get3A_1] : memref<2x10240x64xf32, #tpu.memory_space<vmem>>, vector<1x10000x64xf32>
    %get3A_3 = vector.shape_cast %get3A_2 : vector<1x10000x64xf32> to vector<10000x64xf32>
    %get3A_4 = arith.constant 1 : index
    %get3A_5 = arith.constant 0 : index
    %get3A_6 = arith.constant 0 : index
    %get3A_7 = vector.load %arg1[%get3A_4, %get3A_5, %get3A_6] : memref<2x10240x64xf32, #tpu.memory_space<vmem>>, vector<1x10000x64xf32>
    %get3A_8 = vector.shape_cast %get3A_7 : vector<1x10000x64xf32> to vector<10000x64xf32>
    %add3A = arith.addf %get3A_3, %get3A_8 : vector<10000x64xf32>
    %get3A_9 = arith.constant 0 : index
    %get3A_10 = arith.constant 0 : index
    %get3A_11 = vector.load %arg0[%get3A_9, %get3A_10] : memref<10000x64xf32, #tpu.memory_space<vmem>>, vector<10000x64xf32>
    %add3A_12 = arith.addf %get3A_11, %add3A : vector<10000x64xf32>
    %get3A_13 = arith.constant 0 : index
    %get3A_14 = arith.constant 0 : index
    %get3A_15 = vector.load %arg2[%get3A_13, %get3A_14] : memref<64x64xf32, #tpu.memory_space<vmem>>, vector<64x64xf32>
    %dot_general3A = arith.constant dense<0.000000e+00> : vector<10000x64xf32>
    %dot_general3A_16 = tpu.matmul %add3A_12, %get3A_15, %dot_general3A {dimension_numbers = #tpu.dot_dimension_numbers<[1], [0], [0], [1], [0, 0, 1, 1], [], []>, transpose_lhs_hint = false} : vector<10000x64xf32>, vector<64x64xf32>, vector<10000x64xf32> -> vector<10000x64xf32>
    %get3A_17 = arith.constant 0 : index
    %get3A_18 = arith.constant 0 : index
    %get3A_19 = vector.load %arg3[%get3A_17, %get3A_18] : memref<1x64xf32, #tpu.memory_space<vmem>>, vector<1x64xf32>
    %add3A_20 = vector.broadcast %get3A_19 : vector<1x64xf32> to vector<10000x64xf32>
    %add3A_21 = arith.addf %dot_general3A_16, %add3A_20 : vector<10000x64xf32>
    %max3A = arith.constant 0.000000e+00 : f32
    %max3A_22 = vector.broadcast %max3A : f32 to vector<10000x64xf32>
    %max3A_23 = arith.maximumf %add3A_21, %max3A_22 : vector<10000x64xf32>
    %get3A_24 = arith.constant 0 : index
    %get3A_25 = arith.constant 0 : index
    %get3A_26 = vector.load %arg4[%get3A_24, %get3A_25] : memref<64x64xf32, #tpu.memory_space<vmem>>, vector<64x64xf32>
    %dot_general3A_27 = arith.constant dense<0.000000e+00> : vector<10000x64xf32>
    %dot_general3A_28 = tpu.matmul %max3A_23, %get3A_26, %dot_general3A_27 {dimension_numbers = #tpu.dot_dimension_numbers<[1], [0], [0], [1], [0, 0, 1, 1], [], []>, transpose_lhs_hint = false} : vector<10000x64xf32>, vector<64x64xf32>, vector<10000x64xf32> -> vector<10000x64xf32>
    %get3A_29 = arith.constant 0 : index
    %get3A_30 = arith.constant 0 : index
    %get3A_31 = vector.load %arg5[%get3A_29, %get3A_30] : memref<1x64xf32, #tpu.memory_space<vmem>>, vector<1x64xf32>
    %add3A_32 = vector.broadcast %get3A_31 : vector<1x64xf32> to vector<10000x64xf32>
    %add3A_33 = arith.addf %dot_general3A_28, %add3A_32 : vector<10000x64xf32>
    %reduce_sum3A = arith.constant dense<0.000000e+00> : vector<64xf32>
    %reduce_sum3A_34 = vector.multi_reduction <add>, %add3A_33, %reduce_sum3A [0] : vector<10000x64xf32> to vector<64xf32>
    %broadcast_in_dim3A = vector.shape_cast %reduce_sum3A_34 : vector<64xf32> to vector<1x64xf32>
    %div3A = arith.constant 1.000000e+04 : f32
    %div3A_35 = vector.broadcast %div3A : f32 to vector<1x64xf32>
    %div3A_36 = arith.divf %broadcast_in_dim3A, %div3A_35 : vector<1x64xf32>
    %sub3A = vector.broadcast %div3A_36 : vector<1x64xf32> to vector<10000x64xf32>
    %sub3A_37 = arith.subf %add3A_33, %sub3A : vector<10000x64xf32>
    %integer_pow3A = arith.mulf %sub3A_37, %sub3A_37 : vector<10000x64xf32>
    %reduce_sum3A_38 = arith.constant dense<0.000000e+00> : vector<64xf32>
    %reduce_sum3A_39 = vector.multi_reduction <add>, %integer_pow3A, %reduce_sum3A_38 [0] : vector<10000x64xf32> to vector<64xf32>
    %broadcast_in_dim3A_40 = vector.shape_cast %reduce_sum3A_39 : vector<64xf32> to vector<1x64xf32>
    %div3A_41 = arith.constant 1.000000e+04 : f32
    %div3A_42 = vector.broadcast %div3A_41 : f32 to vector<1x64xf32>
    %div3A_43 = arith.divf %broadcast_in_dim3A_40, %div3A_42 : vector<1x64xf32>
    %sub3A_44 = vector.broadcast %div3A_36 : vector<1x64xf32> to vector<10000x64xf32>
    %sub3A_45 = arith.subf %add3A_33, %sub3A_44 : vector<10000x64xf32>
    %add3A_46 = arith.constant 9.99999974E-6 : f32
    %add3A_47 = vector.broadcast %add3A_46 : f32 to vector<1x64xf32>
    %add3A_48 = arith.addf %div3A_43, %add3A_47 : vector<1x64xf32>
    %sqrt3A = math.sqrt %add3A_48 : vector<1x64xf32>
    %div3A_49 = vector.broadcast %sqrt3A : vector<1x64xf32> to vector<10000x64xf32>
    %div3A_50 = arith.divf %sub3A_45, %div3A_49 : vector<10000x64xf32>
    %get3A_51 = arith.constant 0 : index
    %get3A_52 = arith.constant 0 : index
    %get3A_53 = vector.load %arg6[%get3A_51, %get3A_52] : memref<1x64xf32, #tpu.memory_space<vmem>>, vector<1x64xf32>
    %mul3A = vector.broadcast %get3A_53 : vector<1x64xf32> to vector<10000x64xf32>
    %mul3A_54 = arith.mulf %div3A_50, %mul3A : vector<10000x64xf32>
    %get3A_55 = arith.constant 0 : index
    %get3A_56 = arith.constant 0 : index
    %get3A_57 = vector.load %arg7[%get3A_55, %get3A_56] : memref<1x64xf32, #tpu.memory_space<vmem>>, vector<1x64xf32>
    %add3A_58 = vector.broadcast %get3A_57 : vector<1x64xf32> to vector<10000x64xf32>
    %add3A_59 = arith.addf %mul3A_54, %add3A_58 : vector<10000x64xf32>
    %max3A_60 = arith.constant 0.000000e+00 : f32
    %max3A_61 = vector.broadcast %max3A_60 : f32 to vector<10000x64xf32>
    %max3A_62 = arith.maximumf %add3A_59, %max3A_61 : vector<10000x64xf32>
    %swap3A = arith.constant 0 : index
    %swap3A_63 = arith.constant 0 : index
    %swap3A_64 = vector.load %arg26[%swap3A, %swap3A_63] : memref<10000x64xf32, #tpu.memory_space<vmem>>, vector<10000x64xf32>
    tpu.vector_store %arg26[%swap3A, %swap3A_63], %max3A_62 {strides = array<i32>} : memref<10000x64xf32, #tpu.memory_space<vmem>>, vector<10000x64xf32>,
    %reduce_sum3A_65 = arith.constant dense<0.000000e+00> : vector<64xf32>
    %reduce_sum3A_66 = vector.multi_reduction <add>, %max3A_62, %reduce_sum3A_65 [0] : vector<10000x64xf32> to vector<64xf32>
    %broadcast_in_dim3A_67 = vector.shape_cast %reduce_sum3A_66 : vector<64xf32> to vector<1x64xf32>
    %div3A_68 = arith.constant 1.000000e+04 : f32
    %div3A_69 = vector.broadcast %div3A_68 : f32 to vector<1x64xf32>
    %div3A_70 = arith.divf %broadcast_in_dim3A_67, %div3A_69 : vector<1x64xf32>
    %scan3A = arith.constant 0 : i32
    %scan3A_71 = arith.constant 512 : i32
    %scan3A_72 = arith.addi %scan3A, %scan3A_71 : i32
    %scan3A_73 = arith.constant 1 : i32
    scf.for %scan3A_190 = %scan3A to %scan3A_72 step %scan3A_73  : i32 {
      %get3A_191 = arith.index_cast %scan3A_190 : i32 to index
      %get3A_192 = memref.load %arg8[%get3A_191] : memref<512xi32, #tpu.memory_space<smem>>
      %get3A_193 = arith.index_cast %get3A_192 : i32 to index
      %get3A_194 = arith.constant 0 : index
      %get3A_195 = vector.load %arg26[%get3A_193, %get3A_194] : memref<10000x64xf32, #tpu.memory_space<vmem>>, vector<1x64xf32>
      %swap3A_196 = arith.index_cast %scan3A_190 : i32 to index
      %swap3A_197 = arith.constant 0 : index
      %swap3A_198 = vector.load %arg27[%swap3A_196, %swap3A_197] : memref<512x64xf32, #tpu.memory_space<vmem>>, vector<1x64xf32>
      tpu.vector_store %arg27[%swap3A_196, %swap3A_197], %get3A_195 {strides = array<i32>} : memref<512x64xf32, #tpu.memory_space<vmem>>, vector<1x64xf32>,
    }
    %scan3A_74 = arith.constant 512 : i32
    %get3A_75 = arith.constant 0 : index
    %get3A_76 = arith.constant 0 : index
    %get3A_77 = vector.load %arg27[%get3A_75, %get3A_76] : memref<512x64xf32, #tpu.memory_space<vmem>>, vector<512x64xf32>
    %get3A_78 = arith.constant 0 : index
    %get3A_79 = arith.constant 0 : index
    %get3A_80 = vector.load %arg10[%get3A_78, %get3A_79] : memref<64x64xf32, #tpu.memory_space<vmem>>, vector<64x64xf32>
    %dot_general3A_81 = arith.constant dense<0.000000e+00> : vector<512x64xf32>
    %dot_general3A_82 = tpu.matmul %get3A_77, %get3A_80, %dot_general3A_81 {dimension_numbers = #tpu.dot_dimension_numbers<[1], [0], [0], [1], [0, 0, 1, 1], [], []>, transpose_lhs_hint = false} : vector<512x64xf32>, vector<64x64xf32>, vector<512x64xf32> -> vector<512x64xf32>
    %get3A_83 = arith.constant 0 : index
    %get3A_84 = arith.constant 0 : index
    %get3A_85 = vector.load %arg9[%get3A_83, %get3A_84] : memref<64x64xf32, #tpu.memory_space<vmem>>, vector<64x64xf32>
    %dot_general3A_86 = arith.constant dense<0.000000e+00> : vector<1x64xf32>
    %dot_general3A_87 = tpu.matmul %div3A_70, %get3A_85, %dot_general3A_86 {dimension_numbers = #tpu.dot_dimension_numbers<[1], [0], [0], [1], [0, 0, 1, 1], [], []>, transpose_lhs_hint = false} : vector<1x64xf32>, vector<64x64xf32>, vector<1x64xf32> -> vector<1x64xf32>
    %add3A_88 = vector.broadcast %dot_general3A_87 : vector<1x64xf32> to vector<512x64xf32>
    %add3A_89 = arith.addf %dot_general3A_82, %add3A_88 : vector<512x64xf32>
    %get3A_90 = arith.constant 0 : index
    %get3A_91 = arith.constant 0 : index
    %get3A_92 = vector.load %arg11[%get3A_90, %get3A_91] : memref<1x64xf32, #tpu.memory_space<vmem>>, vector<1x64xf32>
    %add3A_93 = vector.broadcast %get3A_92 : vector<1x64xf32> to vector<512x64xf32>
    %add3A_94 = arith.addf %add3A_89, %add3A_93 : vector<512x64xf32>
    %tanh3A = math.tanh %add3A_94 : vector<512x64xf32>
    %get3A_95 = arith.constant 0 : index
    %get3A_96 = arith.constant 0 : index
    %get3A_97 = vector.load %arg12[%get3A_95, %get3A_96] : memref<64x64xf32, #tpu.memory_space<vmem>>, vector<64x64xf32>
    %dot_general3A_98 = arith.constant dense<0.000000e+00> : vector<512x64xf32>
    %dot_general3A_99 = tpu.matmul %tanh3A, %get3A_97, %dot_general3A_98 {dimension_numbers = #tpu.dot_dimension_numbers<[1], [0], [0], [1], [0, 0, 1, 1], [], []>, transpose_lhs_hint = false} : vector<512x64xf32>, vector<64x64xf32>, vector<512x64xf32> -> vector<512x64xf32>
    %get3A_100 = arith.constant 0 : index
    %get3A_101 = arith.constant 0 : index
    %get3A_102 = vector.load %arg13[%get3A_100, %get3A_101] : memref<1x64xf32, #tpu.memory_space<vmem>>, vector<1x64xf32>
    %add3A_103 = vector.broadcast %get3A_102 : vector<1x64xf32> to vector<512x64xf32>
    %add3A_104 = arith.addf %dot_general3A_99, %add3A_103 : vector<512x64xf32>
    %tanh3A_105 = math.tanh %add3A_104 : vector<512x64xf32>
    %get3A_106 = arith.constant 0 : index
    %get3A_107 = arith.constant 0 : index
    %get3A_108 = vector.load %arg14[%get3A_106, %get3A_107] : memref<1x64xf32, #tpu.memory_space<vmem>>, vector<1x64xf32>
    %mul3A_109 = vector.broadcast %get3A_108 : vector<1x64xf32> to vector<512x64xf32>
    %mul3A_110 = arith.mulf %tanh3A_105, %mul3A_109 : vector<512x64xf32>
    %reduce_sum3A_111 = arith.constant dense<0.000000e+00> : vector<512xf32>
    %reduce_sum3A_112 = vector.multi_reduction <add>, %mul3A_110, %reduce_sum3A_111 [1] : vector<512x64xf32> to vector<512xf32>
    %broadcast_in_dim3A_113 = vector.shape_cast %reduce_sum3A_112 : vector<512xf32> to vector<512x1xf32>
    %get3A_114 = arith.constant 0 : index
    %get3A_115 = arith.constant 0 : index
    %get3A_116 = vector.load %arg15[%get3A_114, %get3A_115] : memref<1x1xf32, #tpu.memory_space<vmem>>, vector<1x1xf32>
    %add3A_117 = vector.broadcast %get3A_116 : vector<1x1xf32> to vector<512x1xf32>
    %add3A_118 = arith.addf %broadcast_in_dim3A_113, %add3A_117 : vector<512x1xf32>
    %get3A_119 = arith.constant 0 : index
    %get3A_120 = arith.constant 0 : index
    %get3A_121 = vector.load %arg17[%get3A_119, %get3A_120] : memref<64x64xf32, #tpu.memory_space<vmem>>, vector<64x64xf32>
    %dot_general3A_122 = arith.constant dense<0.000000e+00> : vector<512x64xf32>
    %dot_general3A_123 = tpu.matmul %get3A_77, %get3A_121, %dot_general3A_122 {dimension_numbers = #tpu.dot_dimension_numbers<[1], [0], [0], [1], [0, 0, 1, 1], [], []>, transpose_lhs_hint = false} : vector<512x64xf32>, vector<64x64xf32>, vector<512x64xf32> -> vector<512x64xf32>
    %get3A_124 = arith.constant 0 : index
    %get3A_125 = arith.constant 0 : index
    %get3A_126 = vector.load %arg16[%get3A_124, %get3A_125] : memref<64x64xf32, #tpu.memory_space<vmem>>, vector<64x64xf32>
    %dot_general3A_127 = arith.constant dense<0.000000e+00> : vector<1x64xf32>
    %dot_general3A_128 = tpu.matmul %div3A_70, %get3A_126, %dot_general3A_127 {dimension_numbers = #tpu.dot_dimension_numbers<[1], [0], [0], [1], [0, 0, 1, 1], [], []>, transpose_lhs_hint = false} : vector<1x64xf32>, vector<64x64xf32>, vector<1x64xf32> -> vector<1x64xf32>
    %add3A_129 = vector.broadcast %dot_general3A_128 : vector<1x64xf32> to vector<512x64xf32>
    %add3A_130 = arith.addf %dot_general3A_123, %add3A_129 : vector<512x64xf32>
    %get3A_131 = arith.constant 0 : index
    %get3A_132 = arith.constant 0 : index
    %get3A_133 = vector.load %arg18[%get3A_131, %get3A_132] : memref<1x64xf32, #tpu.memory_space<vmem>>, vector<1x64xf32>
    %add3A_134 = vector.broadcast %get3A_133 : vector<1x64xf32> to vector<512x64xf32>
    %add3A_135 = arith.addf %add3A_130, %add3A_134 : vector<512x64xf32>
    %tanh3A_136 = math.tanh %add3A_135 : vector<512x64xf32>
    %get3A_137 = arith.constant 0 : index
    %get3A_138 = arith.constant 0 : index
    %get3A_139 = vector.load %arg19[%get3A_137, %get3A_138] : memref<64x64xf32, #tpu.memory_space<vmem>>, vector<64x64xf32>
    %dot_general3A_140 = arith.constant dense<0.000000e+00> : vector<512x64xf32>
    %dot_general3A_141 = tpu.matmul %tanh3A_136, %get3A_139, %dot_general3A_140 {dimension_numbers = #tpu.dot_dimension_numbers<[1], [0], [0], [1], [0, 0, 1, 1], [], []>, transpose_lhs_hint = false} : vector<512x64xf32>, vector<64x64xf32>, vector<512x64xf32> -> vector<512x64xf32>
    %get3A_142 = arith.constant 0 : index
    %get3A_143 = arith.constant 0 : index
    %get3A_144 = vector.load %arg20[%get3A_142, %get3A_143] : memref<1x64xf32, #tpu.memory_space<vmem>>, vector<1x64xf32>
    %add3A_145 = vector.broadcast %get3A_144 : vector<1x64xf32> to vector<512x64xf32>
    %add3A_146 = arith.addf %dot_general3A_141, %add3A_145 : vector<512x64xf32>
    %tanh3A_147 = math.tanh %add3A_146 : vector<512x64xf32>
    %get3A_148 = arith.constant 0 : index
    %get3A_149 = arith.constant 0 : index
    %get3A_150 = vector.load %arg21[%get3A_148, %get3A_149] : memref<1x64xf32, #tpu.memory_space<vmem>>, vector<1x64xf32>
    %mul3A_151 = vector.broadcast %get3A_150 : vector<1x64xf32> to vector<512x64xf32>
    %mul3A_152 = arith.mulf %tanh3A_147, %mul3A_151 : vector<512x64xf32>
    %reduce_sum3A_153 = arith.constant dense<0.000000e+00> : vector<512xf32>
    %reduce_sum3A_154 = vector.multi_reduction <add>, %mul3A_152, %reduce_sum3A_153 [1] : vector<512x64xf32> to vector<512xf32>
    %broadcast_in_dim3A_155 = vector.shape_cast %reduce_sum3A_154 : vector<512xf32> to vector<512x1xf32>
    %get3A_156 = arith.constant 0 : index
    %get3A_157 = arith.constant 0 : index
    %get3A_158 = vector.load %arg22[%get3A_156, %get3A_157] : memref<1x1xf32, #tpu.memory_space<vmem>>, vector<1x1xf32>
    %add3A_159 = vector.broadcast %get3A_158 : vector<1x1xf32> to vector<512x1xf32>
    %add3A_160 = arith.addf %broadcast_in_dim3A_155, %add3A_159 : vector<512x1xf32>
    %swap3A_161 = arith.constant 0 : index
    %swap3A_162 = arith.constant 0 : index
    %swap3A_163 = vector.load %arg24[%swap3A_161, %swap3A_162] : memref<512x1xf32, #tpu.memory_space<vmem>>, vector<512x1xf32>
    tpu.vector_store %arg24[%swap3A_161, %swap3A_162], %add3A_160 {strides = array<i32>} : memref<512x1xf32, #tpu.memory_space<vmem>>, vector<512x1xf32>,
    %reduce_max3A = vector.shape_cast %add3A_118 : vector<512x1xf32> to vector<1x512x1xf32>
    %reduce_max3A_164 = arith.constant dense<0xFF800000> : vector<1xf32>
    %reduce_max3A_165 = vector.multi_reduction <maximumf>, %reduce_max3A, %reduce_max3A_164 [1, 2] : vector<1x512x1xf32> to vector<1xf32>
    %reduce_max3A_166 = vector.shape_cast %reduce_max3A_165 : vector<1xf32> to vector<1x1x1xf32>
    %reduce_max3A_167 = vector.extract %reduce_max3A_166[0, 0, 0] : f32 from vector<1x1x1xf32>
    %iota3A = tpu.iota {dimensions = array<i32: 0>} : vector<512x1xi32>
    %eq3A = vector.broadcast %reduce_max3A_167 : f32 to vector<512x1xf32>
    %eq3A_168 = arith.cmpf oeq, %add3A_118, %eq3A : vector<512x1xf32>
    %jit3A = arith.constant 1073741824 : i32
    %broadcast_in_dim3A_169 = vector.broadcast %jit3A : i32 to vector<512x1xi32>
    %select_n3A = arith.select %eq3A_168, %iota3A, %broadcast_in_dim3A_169 : vector<512x1xi1>, vector<512x1xi32>
    %reduce_min3A = vector.shape_cast %select_n3A : vector<512x1xi32> to vector<1x512x1xi32>
    %reduce_min3A_170 = arith.constant dense<2147483647> : vector<1xi32>
    %reduce_min3A_171 = vector.multi_reduction <minsi>, %reduce_min3A, %reduce_min3A_170 [1, 2] : vector<1x512x1xi32> to vector<1xi32>
    %reduce_min3A_172 = vector.shape_cast %reduce_min3A_171 : vector<1xi32> to vector<1x1x1xi32>
    %reduce_min3A_173 = vector.extract %reduce_min3A_172[0, 0, 0] : i32 from vector<1x1x1xi32>
    %broadcast_in_dim3A_174 = vector.broadcast %reduce_min3A_173 : i32 to vector<1x1xi32>
    %swap3A_175 = arith.constant 0 : index
    %swap3A_176 = arith.constant 0 : index
    %swap3A_177 = vector.load %arg23[%swap3A_175, %swap3A_176] : memref<1x1xi32, #tpu.memory_space<vmem>>, vector<1x1xi32>
    tpu.vector_store %arg23[%swap3A_175, %swap3A_176], %broadcast_in_dim3A_174 {strides = array<i32>} : memref<1x1xi32, #tpu.memory_space<vmem>>, vector<1x1xi32>,
    %sub3A_178 = vector.broadcast %reduce_max3A_167 : f32 to vector<512x1xf32>
    %sub3A_179 = arith.subf %add3A_118, %sub3A_178 : vector<512x1xf32>
    %exp3A = math.exp %sub3A_179 : vector<512x1xf32>
    %reduce_sum3A_180 = vector.shape_cast %exp3A : vector<512x1xf32> to vector<1x512x1xf32>
    %reduce_sum3A_181 = arith.constant dense<0.000000e+00> : vector<1xf32>
    %reduce_sum3A_182 = vector.multi_reduction <add>, %reduce_sum3A_180, %reduce_sum3A_181 [1, 2] : vector<1x512x1xf32> to vector<1xf32>
    %reduce_sum3A_183 = vector.shape_cast %reduce_sum3A_182 : vector<1xf32> to vector<1x1x1xf32>
    %reduce_sum3A_184 = vector.extract %reduce_sum3A_183[0, 0, 0] : f32 from vector<1x1x1xf32>
    %log3A = math.log %reduce_sum3A_184 : f32
    %neg3A = arith.constant 0.000000e+00 : f32
    %neg3A_185 = arith.subf %neg3A, %log3A : f32
    %broadcast_in_dim3A_186 = vector.broadcast %neg3A_185 : f32 to vector<1x1xf32>
    %swap3A_187 = arith.constant 0 : index
    %swap3A_188 = arith.constant 0 : index
    %swap3A_189 = vector.load %arg25[%swap3A_187, %swap3A_188] : memref<1x1xf32, #tpu.memory_space<vmem>>, vector<1x1xf32>
    tpu.vector_store %arg25[%swap3A_187, %swap3A_188], %broadcast_in_dim3A_186 {strides = array<i32>} : memref<1x1xf32, #tpu.memory_space<vmem>>, vector<1x1xf32>,
    return
  }
}

</mosaic_0001>

<sc_bundles>
// kernel: kernel.6.cloned.1.call-start
scs
__scs_entry_jumppad:
0x0: {  	(pc) =	sbr.rel $0x88, $3  }
0x1: {  	(tag) =	ssettag $0x0;
	lr =	simm.s32 $0x1  }
0x2: {  	[smem:$0x3F86] =	sst lr;
	_ =	strace $0xD0000000  }
0x3: {  	_ = 	snop  }
0x4: {  	_ = 	snop  }
0x5: {  	_ = 	snop  }
0x6: {  	_ = 	snop  }
0x7: {  	_ = 	snop  }
__scs_overlays_trampoline_lowered:
0x8: {  	[smem:$0x3F95] =	sst s0  }
0x9: {  	[smem:$0x3F96] =	sst s1  }
0xa: {  	[smem:$0x3F97] =	sst s2  }
0xb: {  	[smem:$0x3F98] =	sst s3  }
0xc: {  	[smem:$0x3F99] =	sst s4  }
0xd: {  	[smem:$0x3F9A] =	sst s5  }
0xe: {  	[smem:$0x3F9B] =	sst s6  }
0xf: {  	[smem:$0x3F9C] =	sst s7  }
0x10: {  	[smem:$0x3F9D] =	sst s8  }
0x11: {  	[smem:$0x3F9E] =	sst s9;
	s0 =	simm.s32 @!p0 $0x0  }
0x12: {  	s1 =	sld [smem:$0x3F84];
	s0 =	simm.s32 @p0 $0x1  }
0x13: {  	[smem:$0x3F9F] =	sst s0;
	s0 =	simm.s32 @!p1 $0x0  }
0x14: {  	s2 =	sld [smem:$0x3F83];
	s0 =	simm.s32 @p1 $0x1  }
0x15: {  	[smem:$0x3FA0] =	sst s0;
	s0 =	simm.s32 @!p2 $0x0  }
0x16: {  	s3 =	sld [smem:$0x3FDB];
	s0 =	simm.s32 @p2 $0x1  }
0x17: {  	s4 =	simm.s32 $0x1BF5;
	[smem:$0x3FA2] =	sst s0  }
0x18: {  	s0 =	sld [smem:$0x3F85];
	_ =	swait.ge [sflag:s4], $0x0  }
0x19: {  	s7 =	sld [smem:$0x3F86]  }
0x1a: {  	s8 =	sadd.s32 $0xFFFFE003, lr  }
0x1b: {  	s9 =	sadd.s32 $0xFFFFFEF7, lr;
	s5 =	simm.s32 $0xFFFFFFFF;
	p2 =	slt.u32 s8, $0xFFFFF086  }
0x1c: {  	p1 =	slt.u32 s9, $0xF7A;
	s5 =	simm.s32 @!p2 $0x0  }
0x1d: {  	s5 =	simm.s32 @p1 $0x1;
	p0 =	seq.s32 s7, s2  }
0x1e: {  	s7 =	smul.u32 @!p0 $0xF7A, s2;
	p2 =	seq.s32 @!p0 s5, $0x0  }
0x1f: {  	s9 =	smul.u32 $0xF7A, s1;
	s8 =	simm.s32 @!p0 $0x1BF5;
	p2 =	por !p2, p0  }
0x20: {  	[sflag:s8] =	ssyncset.s32 @!p0 $0xFFFFF086;
	s6 =	sadd.s32 @!p0 s3, s7;
	s7 =	simm.s32 @!p0 $0x108  }
0x21: {  	s3 =	sadd.s32 s3, s9;
	s6 =	sadd.s32 @!p0 $0x88, s6;
	s7 =	simm.s32 @p2 $0x1082  }
0x22: {  	[simem:s7], [sflag:s8] =	dma.local @!p0 [hbm:s6], $0xF7A  }
0x23: {  	s9 =	sor.u32 $0xD0000000, s2;
	s6 =	simm.s32 $0x108;
	_ =	swait.ge @!p0 [sflag:s8], $0x0  }
0x24: {  	s3 =	sadd.s32 $0x88, s3;
	s6 =	simm.s32 @!p1 $0x1082;
	[sflag:s4] =	ssyncset.s32 $0xFFFFF086  }
0x25: {  	[simem:s6], [sflag:s4] =	dma.local [hbm:s3], $0xF7A  }
0x26: {  	[smem:$0x3F86] =	sst s1;
	(tag) =	ssettag s2;
	_ =	strace s9  }
0x27: {  	s1 =	sld [smem:$0x3F96]  }
0x28: {  	s2 =	sld [smem:$0x3F97]  }
0x29: {  	s4 =	sld [smem:$0x3F99]  }
0x2a: {  	p0 =	seq.s32 s5, $0x0;
	s5 =	sld [smem:$0x3F9A]  }
0x2b: {  	s6 =	sld [smem:$0x3F9B]  }
0x2c: {  	s7 =	sld [smem:$0x3F9C]  }
0x2d: {  	s3 =	simm.s32 $0x108;
	s8 =	sld [smem:$0x3F9D]  }
0x2e: {  	s3 =	simm.s32 @!p0 $0x1082;
	s9 =	sld [smem:$0x3F9E]  }
0x2f: {  	lr =	sadd.s32 s0, s3;
	s0 =	sld [smem:$0x3F95]  }
0x30: {  	s3 =	sld [smem:$0x3F98]  }
0x31: {  	[smem:$0x3FA1] =	sst s10  }
0x32: {  	s10 =	sld [smem:$0x3F9F];
	_ =	sdelay $0x3  }
0x33: {  	p0 =	seq.s32 s10, $0x1;
	s10 =	sld [smem:$0x3FA1];
	_ =	sdelay $0x3  }
0x34: {  	[smem:$0x3FA1] =	sst s10  }
0x35: {  	s10 =	sld [smem:$0x3FA0];
	_ =	sdelay $0x3  }
0x36: {  	p1 =	seq.s32 s10, $0x1;
	s10 =	sld [smem:$0x3FA1];
	_ =	sdelay $0x3  }
0x37: {  	[smem:$0x3FA1] =	sst s10  }
0x38: {  	s10 =	sld [smem:$0x3FA2]  }
0x39: {  	_ = 	snop;
	(pc) =	sbr.ind lr, $3  }
0x3a: {  	_ = 	snop  }
0x3b: {  	_ = 	snop  }
0x3c: {  	p2 =	seq.s32 s10, $0x1;
	s10 =	sld [smem:$0x3FA1]  }
0x3d: {  	_ =	shalt  }
0x3e: {  	_ =	shalt  }
0x3f: {  	_ =	shalt  }
0x40: {  	_ =	shalt  }
0x41: {  	_ =	shalt  }
0x42: {  	_ =	shalt  }
0x43: {  	_ =	shalt  }
0x44: {  	_ =	shalt  }
0x45: {  	_ =	shalt  }
0x46: {  	_ =	shalt  }
0x47: {  	_ =	shalt  }
0x48: {  	_ =	shalt  }
0x49: {  	_ =	shalt  }
0x4a: {  	_ =	shalt  }
0x4b: {  	_ =	shalt  }
0x4c: {  	_ =	shalt  }
0x4d: {  	_ =	shalt  }
0x4e: {  	_ =	shalt  }
0x4f: {  	_ =	shalt  }
0x50: {  	_ =	shalt  }
0x51: {  	_ =	shalt  }
0x52: {  	_ =	shalt  }
0x53: {  	_ =	shalt  }
0x54: {  	_ =	shalt  }
0x55: {  	_ =	shalt  }
0x56: {  	_ =	shalt  }
0x57: {  	_ =	shalt  }
0x58: {  	_ =	shalt  }
0x59: {  	_ =	shalt  }
0x5a: {  	_ =	shalt  }
0x5b: {  	_ =	shalt  }
0x5c: {  	_ =	shalt  }
0x5d: {  	_ =	shalt  }
0x5e: {  	_ =	shalt  }
0x5f: {  	_ =	shalt  }
0x60: {  	_ =	shalt  }
0x61: {  	_ =	shalt  }
0x62: {  	_ =	shalt  }
0x63: {  	_ =	shalt  }
0x64: {  	_ =	shalt  }
0x65: {  	_ =	shalt  }
0x66: {  	_ =	shalt  }
0x67: {  	_ =	shalt  }
0x68: {  	_ =	shalt  }
0x69: {  	_ =	shalt  }
0x6a: {  	_ =	shalt  }
0x6b: {  	_ =	shalt  }
0x6c: {  	_ =	shalt  }
0x6d: {  	_ =	shalt  }
0x6e: {  	_ =	shalt  }
0x6f: {  	_ =	shalt  }
0x70: {  	_ =	shalt  }
0x71: {  	_ =	shalt  }
0x72: {  	_ =	shalt  }
0x73: {  	_ =	shalt  }
0x74: {  	_ =	shalt  }
0x75: {  	_ =	shalt  }
0x76: {  	_ =	shalt  }
0x77: {  	_ =	shalt  }
0x78: {  	_ =	shalt  }
0x79: {  	_ =	shalt  }
0x7a: {  	_ =	shalt  }
0x7b: {  	_ =	shalt  }
0x7c: {  	_ =	shalt  }
0x7d: {  	_ =	shalt  }
0x7e: {  	_ =	shalt  }
0x7f: {  	_ =	shalt  }
0x80: {  	_ =	shalt  }
0x81: {  	_ =	shalt  }
0x82: {  	_ =	shalt  }
0x83: {  	_ =	shalt  }
0x84: {  	_ =	shalt  }
0x85: {  	_ =	shalt  }
0x86: {  	_ =	shalt  }
0x87: {  	_ =	shalt  }
.Lfunc_end0:
.L_simem_size_0:
called_computation_lowered:
.L_overlay_start_0:
0x88: {  	s2 =	sld [smem:$0x3FD9]  }
0x89: {  	s3 =	sld [smem:$0x3FFE];
	_ =	sdelay $0x1  }
0x8a: {  	s1 =	srdreg.scid  }
0x8b: {  	s0 =	sand.u32 $0x1, s1  }
0x8c: {  	s17 =	sshll.u32 s0, $0xA;
	s2 =	sadd.s32 s3, s2  }
0x8d: {  	s2 =	sadd.s32 s2, s17  }
0x8e: {  	[smem:$0x3FAD] =	sst s2  }
0x8f: {  	_ = 	snop  }
0x90: {  	s2 =	sld [smem:$0x3FC9];
	(tm) =	ssettm $0x1  }
0x91: {  	s18 =	sld [smem:$0x3FFB];
	_ =	sdelay $0x3  }
0x92: {  	_ =	strace s18  }
0x93: {  	s3 =	sld [smem:$0x3FFC];
	_ =	sdelay $0x3  }
0x94: {  	_ =	strace s3  }
0x95: {  	s3 =	sld [smem:$0x3FFD];
	_ =	sdelay $0x3  }
0x96: {  	_ =	strace s3  }
0x97: {  	_ =	strace $0x8FFFFFFF  }
0x98: {  	s19 =	sld [smem:$0x3FDB];
	_ =	sdelay $0x1  }
0x99: {  	s4 =	simm.s32 $_scs_section_size  }
0x9a: {  	s5 =	simm.s32 $_size__tile_overlayer_lowered;
	s6 =	simm.s32 $_tile_overlayer_lowered  }
0x9b: {  	s22 =	simm.s32 $0x1BFF;
	s21 =	sshll.u32 s6, $0x1;
	s3 =	sadd.s32 s4, s19  }
0x9c: {  	s7 =	simm.s32 $0x0;
	s20 =	sshll.u32 s5, $0x1;
	s5 =	sadd.s32 s21, s3  }
0x9d: {  	[timem:s7], [sflag:s22] =	dma.local [hbm:s5], s20  }
0x9e: {  	_ =	swait.ge [sflag:s22], s20  }
0x9f: {  	s4 =	ssub.s32 $0x0, s20;
	[sflag:s22] =	ssyncset.done $0x0  }
0xa0: {  	[sflag:s22] =	ssyncadd.s32 s4;
	_ =	sdelay $0x1  }
0xa1: {  	s23 =	simm.s32 $0x1B8B  }
0xa2: {  	_ =	swait.ge [sflag:s23], $0x1  }
0xa3: {  	[sflag:s23] =	ssyncset.done $0x0  }
0xa4: {  	s25 =	simm.s32 $0x1B8E;
	s24 =	sld [smem:$0x3FFE];
	[sflag:s23] =	ssyncadd.s32 $0xFFFFFFFF  }
0xa5: {  	s26 =	simm.s32 $execute0_lowered;
	[smem:$0x3FD2] =	sst s25  }
0xa6: {  	s5 =	sshll.u32 s26, $0x1;
	_ =	strace $0x80000046;
	[dreg:$0x1] =	wrdreg $0xFFFFFFFF  }
0xa7: {  	s28 =	simm.s32 $_size_execute0_lowered;
	s3 =	sadd.s32 s3, s5;
	[dreg:$0x0] =	wrdreg $0x0  }
0xa8: {  	s5 =	sshll.u32 s28, $0x1;
	[dreg:$0x2] =	wrdreg s3  }
0xa9: {  	[dreg:$0x3] =	wrdreg s5  }
0xaa: {  	[dreg:$0x4] =	wrdreg $0xC0  }
0xab: {  	_ =	task [dreg:s7], $0x5FFFF  }
0xac: {  	[dreg:$0x1] =	wrdreg $0xFFFFFFFF  }
0xad: {  	[dreg:$0x0] =	wrdreg $0x60  }
0xae: {  	[dreg:$0x2] =	wrdreg s2  }
0xaf: {  	[dreg:$0x3] =	wrdreg s24  }
0xb0: {  	[dreg:$0x4] =	wrdreg $0x90000  }
0xb1: {  	[dreg:$0x5] =	wrdreg $0x9  }
0xb2: {  	_ =	task.clear_ibuf [dreg:s7], $0x6FFFF;
	_ =	strace $0x90000046  }
0xb3: {  	s29 =	simm.s32 $0x9;
	_ =	strace $0x80000048  }
0xb4: {  	_ =	swait.ge [sflag:s29], $0x1  }
0xb5: {  	[sflag:s29] =	ssyncadd.s32 $0xFFFFFFFF  }
0xb6: {  	_ =	strace $0x90000048  }
0xb7: {  	_ =	sfence  }
0xb8: {  	s30 =	sld [smem:$0x0];
	_ =	sdelay $0x2  }
0xb9: {  	s31 =	sshll.u32 s1, $0xD;
	s1 =	sshrl.u32 s1, $0x2  }
0xba: {  	s3 =	sand.u32 $0x4000, s31;
	s1 =	sadd.s32 s1, s30  }
0xbb: {  	s0 =	sor.u32 s3, s0;
	s1 =	sshll.u32 s1, $0x11  }
0xbc: {  	s0 =	sor.u32 s1, s0  }
0xbd: {  	s0 =	sadd.s32 $0x8F2B, s0  }
0xbe: {  	[sflag:s0] =	ssyncadd.remote.s32 $0x1  }
0xbf: {  	_ =	sfence.sel $0xFFFF  }
0xc0: {  	[dreg:$0x0] =	wrdreg $0xFFFFFFFF;
	(pc) =	sbr.abs _section_cstart, $3  }
0xc1: {  	[dreg:$0x1] =	wrdreg $0xFFFFFFFF  }
0xc2: {  	_ =	task.clear_ibuf [dreg:s7], $0x2FFFF;
	_ =	strace $0x9FFFFFFF  }
0xc3: {  	(tm) =	ssettm $0x7FFFFFFF  }
tec
execute0_lowered:
.L_overlay_start_1:
0x0: {  	(tag) =	ssettag $0x1  }
0x1: {  	s1 =	rddreg [dreg:$0x0]  }
0x2: {  	s0 =	srdreg.scid;
	s6 =	rddreg [dreg:$0x1]  }
0x3: {  	s3 =	rddreg [dreg:$0x2];
	s4 =	simm.s32 $0x0;
	s19 =	simm.s32 $0x5000  }
0x4: {  	s20 =	simm.s32 $0x3;
	s21 =	simm.s32 $0x2800;
	s22 =	simm.s32 $0x40  }
0x5: {  	s23 =	simm.s32 $0x7000;
	s24 =	simm.s32 $0x1;
	s26 =	simm.s32 $0x2  }
0x6: {  	s28 =	simm.s32 $0x4F80;
	s5 =	sand.u32 $0x1, s0;
	s0 =	stileid.u32  }
0x7: {  	s29 =	simm.s32 $0x4FC0;
	[smem:$0x7FF] =	sst s4;
	s8 =	smul.u32 $0x140000, s5  }
0x8: {  	s2 =	sshll.u32 s5, $0x4;
	s9 =	smul.u32 $0x14000, s0;
	_ =	strace $0x80000047  }
0x9: {  	s10 =	smul.u32 $0x50000, s0;
	s5 =	ssub.s32 $0x2, s5;
	s2 =	sor.u32 s0, s2  }
0xa: {  	s11 =	sshrl.u32 s5, $0x1;
	s7 =	smul.u32 $0x500, s2;
	s8 =	sadd.s32 s9, s8  }
0xb: {  	s10 =	sshrl.u32 s10, $0x2;
	s11 =	ssub.s32 s5, s11;
	s25 =	sadd.s32 s9, s3  }
0xc: {  	s8 =	sshrl.u32 s8, $0x3;
	s5 =	sadd.s32 s10, s3;
	s9 =	smax.u32 s11, $0x1  }
0xd: {  	s25 =	sshrl.u32 s25, $0x3;
	s7 =	sadd.s32 s7, s6;
	s8 =	sadd.s32 s8, s6  }
0xe: {  	s10 =	sadd.s32 $0x2000, s5;
	s11 =	sadd.s32 $0x4000, s5;
	s12 =	sadd.s32 $0x6000, s5  }
0xf: {  	s13 =	sadd.s32 $0x8000, s5;
	s14 =	sadd.s32 $0xA000, s5;
	s15 =	sadd.s32 $0xC000, s5  }
0x10: {  	s16 =	sadd.s32 $0xE000, s5;
	s17 =	sadd.s32 $0x10000, s5;
	s18 =	sadd.s32 $0x12000, s5  }
0x11: {  	v0 =	vimm.f32 $0.0e+00;
	s6 =	sadd.s32 $0x4000, s7;
	s7 =	sadd.s32 $0xE000, s7;
	s8 =	sadd.s32 $0x18000, s8  }
.LBB2_1:
0x12: {  	s30 =	simm.s32 $0x0;
	s31 =	simm.s32 $0x200  }
.LBB2_2:
0x13: {  	p0 =	sne.s32 s31, $0x7E00;
	[tilespmem:s30+$0x5070] =	vst v0  }
0x14: {  	[tilespmem:s30+$0x5000] =	vst v0  }
0x15: {  	[tilespmem:s30+$0x5010] =	vst v0  }
.Ltmp0:
0x16: {  	[tilespmem:s30+$0x5020] =	vst v0;
	(pc) =	sbr.rel @p0 .LBB2_2-.Ltmp0, $4  }
0x17: {  	[tilespmem:s30+$0x5030] =	vst v0  }
0x18: {  	[tilespmem:s30+$0x5040] =	vst v0  }
0x19: {  	[tilespmem:s30+$0x5050] =	vst v0  }
0x1a: {  	[tilespmem:s30+$0x5060] =	vst v0;
	s30 =	sshra.s32 s31, $0x2;
	s31 =	sadd.s32 $0x200, s31  }
0x1b: {  	[tilespmem:s30+$0x5070] =	vst v0  }
0x1c: {  	[tilespmem:s30+$0x5000] =	vst v0  }
0x1d: {  	[tilespmem:s30+$0x5010] =	vst v0  }
0x1e: {  	[tilespmem:s30+$0x5020] =	vst v0  }
0x1f: {  	[tilespmem:s30+$0x5030] =	vst v0  }
0x20: {  	[tilespmem:s30+$0x5040] =	vst v0  }
0x21: {  	[tilespmem:s30+$0x5050] =	vst v0  }
0x22: {  	[tilespmem:s30+$0x5060] =	vst v0  }
0x23: {  	[spmem:s5] =	stream.linear.scatter [tilespmem:s19], [sflag:$0x3], $0x2000, $0x38;
	[tilespmem:$0x1D000] =	vst v63  }
0x24: {  	_ =	swait.ge [sflag:s20], $0x2000  }
0x25: {  	[sflag:s20] =	ssyncset.done $0x0  }
0x26: {  	[sflag:s20] =	ssyncadd.s32 $0xFFFFE000  }
0x27: {  	[spmem:s10] =	stream.linear.scatter [tilespmem:s19], [sflag:$0x3], $0x2000, $0x38;
	[tilespmem:$0x1D000] =	vst v63  }
0x28: {  	_ =	swait.ge [sflag:s20], $0x2000  }
0x29: {  	[sflag:s20] =	ssyncset.done $0x0  }
0x2a: {  	[sflag:s20] =	ssyncadd.s32 $0xFFFFE000  }
0x2b: {  	[spmem:s11] =	stream.linear.scatter [tilespmem:s19], [sflag:$0x3], $0x2000, $0x38;
	[tilespmem:$0x1D000] =	vst v63  }
0x2c: {  	_ =	swait.ge [sflag:s20], $0x2000  }
0x2d: {  	[sflag:s20] =	ssyncset.done $0x0  }
0x2e: {  	[sflag:s20] =	ssyncadd.s32 $0xFFFFE000  }
0x2f: {  	[spmem:s12] =	stream.linear.scatter [tilespmem:s19], [sflag:$0x3], $0x2000, $0x38;
	[tilespmem:$0x1D000] =	vst v63  }
0x30: {  	_ =	swait.ge [sflag:s20], $0x2000  }
0x31: {  	[sflag:s20] =	ssyncset.done $0x0  }
0x32: {  	[sflag:s20] =	ssyncadd.s32 $0xFFFFE000  }
0x33: {  	[spmem:s13] =	stream.linear.scatter [tilespmem:s19], [sflag:$0x3], $0x2000, $0x38;
	[tilespmem:$0x1D000] =	vst v63  }
0x34: {  	_ =	swait.ge [sflag:s20], $0x2000  }
0x35: {  	[sflag:s20] =	ssyncset.done $0x0  }
0x36: {  	[sflag:s20] =	ssyncadd.s32 $0xFFFFE000  }
0x37: {  	[spmem:s14] =	stream.linear.scatter [tilespmem:s19], [sflag:$0x3], $0x2000, $0x38;
	[tilespmem:$0x1D000] =	vst v63  }
0x38: {  	_ =	swait.ge [sflag:s20], $0x2000  }
0x39: {  	[sflag:s20] =	ssyncset.done $0x0  }
0x3a: {  	[sflag:s20] =	ssyncadd.s32 $0xFFFFE000  }
0x3b: {  	[spmem:s15] =	stream.linear.scatter [tilespmem:s19], [sflag:$0x3], $0x2000, $0x38;
	[tilespmem:$0x1D000] =	vst v63  }
0x3c: {  	_ =	swait.ge [sflag:s20], $0x2000  }
0x3d: {  	[sflag:s20] =	ssyncset.done $0x0  }
0x3e: {  	[sflag:s20] =	ssyncadd.s32 $0xFFFFE000  }
0x3f: {  	[spmem:s16] =	stream.linear.scatter [tilespmem:s19], [sflag:$0x3], $0x2000, $0x38;
	[tilespmem:$0x1D000] =	vst v63  }
0x40: {  	_ =	swait.ge [sflag:s20], $0x2000  }
0x41: {  	[sflag:s20] =	ssyncset.done $0x0  }
0x42: {  	[sflag:s20] =	ssyncadd.s32 $0xFFFFE000  }
0x43: {  	[spmem:s17] =	stream.linear.scatter [tilespmem:s19], [sflag:$0x3], $0x2000, $0x38;
	[tilespmem:$0x1D000] =	vst v63  }
0x44: {  	_ =	swait.ge [sflag:s20], $0x2000  }
0x45: {  	[sflag:s20] =	ssyncset.done $0x0  }
0x46: {  	[sflag:s20] =	ssyncadd.s32 $0xFFFFE000  }
0x47: {  	[spmem:s18] =	stream.linear.scatter [tilespmem:s19], [sflag:$0x3], $0x2000, $0x38;
	[tilespmem:$0x1D000] =	vst v63  }
0x48: {  	_ =	swait.ge [sflag:s20], $0x2000  }
0x49: {  	[sflag:s20] =	ssyncset.done $0x0  }
0x4a: {  	s30 =	simm.s32 $0x0;
	[sflag:s20] =	ssyncadd.s32 $0xFFFFE000  }
0x4b: {  	[tilespmem:s30], [sflag:$0x3] =	stream.linear.gather [hbm4b:s6+s30], $0x2800, $0x38;
	[tilespmem:$0x1D000] =	vst v63  }
0x4c: {  	_ =	swait.ge [sflag:s20], $0x2800  }
0x4d: {  	[sflag:s20] =	ssyncset.done $0x0  }
0x4e: {  	[sflag:s20] =	ssyncadd.s32 $0xFFFFD800  }
0x4f: {  	[tilespmem:s21], [sflag:$0x3] =	stream.linear.gather [hbm4b:s7+s30], $0x2800, $0x38;
	[tilespmem:$0x1D000] =	vst v63  }
0x50: {  	_ =	swait.ge [sflag:s20], $0x2800  }
0x51: {  	[sflag:s20] =	ssyncset.done $0x0  }
0x52: {  	[sflag:s20] =	ssyncadd.s32 $0xFFFFD800  }
0x53: {  	[bflag:$0x0] =	sbarrier.arrive $0xFFFF  }
0x54: {  	[tilespmem:s19], [sflag:$0x1] =	stream.indirect.gather [hbm4b:s1+s22], $0x80, s30, s22, $0xb8;
	[tilespmem:$0x1D000] =	vst v63  }
0x55: {  	_ = 	snop  }
0x56: {  	[tilespmem:s23], [sflag:$0x2] =	stream.indirect.gather [hbm4b:s1+s22], $0x80, s22, s22, $0xb8;
	[tilespmem:$0x1D000] =	vst v63  }
0x57: {  	_ =	swait.ge [sflag:s24], $0x2000  }
0x58: {  	[sflag:s24] =	ssyncset.done $0x0  }
0x59: {  	s30 =	simm.s32 $0x2800;
	[sflag:s24] =	ssyncadd.s32 $0xFFFFE000  }
0x5a: {  	[spmem:s3] =	stream.indirect.scatter.add.f32 [tilespmem:s19], [sflag:$0x3], $0x80, s30, s22, $0xb8;
	[tilespmem:$0x1D000] =	vst v63  }
0x5b: {  	_ =	swait.ge [sflag:s20], $0x2000  }
0x5c: {  	[sflag:s20] =	ssyncset.done $0x0  }
0x5d: {  	s30 =	simm.s32 $0x80;
	[sflag:s20] =	ssyncadd.s32 $0xFFFFE000  }
0x5e: {  	[tilespmem:s19], [sflag:$0x1] =	stream.indirect.gather [hbm4b:s1+s22], $0x80, s30, s22, $0xb8;
	[tilespmem:$0x1D000] =	vst v63  }
0x5f: {  	_ =	swait.ge [sflag:s26], $0x2000  }
0x60: {  	[sflag:s26] =	ssyncset.done $0x0  }
0x61: {  	s30 =	simm.s32 $0x2840;
	[sflag:s26] =	ssyncadd.s32 $0xFFFFE000  }
0x62: {  	[spmem:s3] =	stream.indirect.scatter.add.f32 [tilespmem:s23], [sflag:$0x3], $0x80, s30, s22, $0xb8;
	[tilespmem:$0x1D000] =	vst v63  }
0x63: {  	_ =	swait.ge [sflag:s20], $0x2000  }
0x64: {  	[sflag:s20] =	ssyncset.done $0x0  }
0x65: {  	s31 =	simm.s32 $0xC0;
	s30 =	simm.s32 $0x200;
	[sflag:s20] =	ssyncadd.s32 $0xFFFFE000  }
.LBB2_4:
0x66: {  	[tilespmem:s23], [sflag:$0x2] =	stream.indirect.gather [hbm4b:s1+s22], $0x80, s31, s22, $0xb8;
	[tilespmem:$0x1D000] =	vst v63  }
0x67: {  	s31 =	smov.u32 s30  }
0x68: {  	p0 =	sne.s32 s30, $0x9C00;
	s30 =	sadd.s32 $0x200, s30;
	_ =	swait.ge [sflag:s24], $0x2000  }
0x69: {  	s31 =	sshra.s32 s31, $0x2;
	[sflag:s24] =	ssyncset.done $0x0  }
0x6a: {  	s2 =	sadd.s32 $0x2800, s31;
	[sflag:s24] =	ssyncadd.s32 $0xFFFFE000  }
0x6b: {  	[spmem:s3] =	stream.indirect.scatter.add.f32 [tilespmem:s19], [sflag:$0x3], $0x80, s2, s22, $0xb8;
	[tilespmem:$0x1D000] =	vst v63  }
0x6c: {  	_ =	swait.ge [sflag:s20], $0x2000  }
0x6d: {  	[sflag:s20] =	ssyncset.done $0x0  }
0x6e: {  	s2 =	sadd.s32 $0x80, s31;
	[sflag:s20] =	ssyncadd.s32 $0xFFFFE000  }
0x6f: {  	[tilespmem:s19], [sflag:$0x1] =	stream.indirect.gather [hbm4b:s1+s22], $0x80, s2, s22, $0xb8;
	[tilespmem:$0x1D000] =	vst v63  }
0x70: {  	_ =	swait.ge [sflag:s26], $0x2000  }
0x71: {  	[sflag:s26] =	ssyncset.done $0x0  }
.Ltmp1:
0x72: {  	s2 =	sadd.s32 $0x2840, s31;
	[sflag:s26] =	ssyncadd.s32 $0xFFFFE000;
	(pc) =	sbr.rel @p0 .LBB2_4-.Ltmp1, $4  }
0x73: {  	[spmem:s3] =	stream.indirect.scatter.add.f32 [tilespmem:s23], [sflag:$0x3], $0x80, s2, s22, $0xb8;
	[tilespmem:$0x1D000] =	vst v63  }
0x74: {  	_ =	swait.ge [sflag:s20], $0x2000  }
0x75: {  	[sflag:s20] =	ssyncset.done $0x0  }
0x76: {  	s31 =	sadd.s32 $0xC0, s31;
	[sflag:s20] =	ssyncadd.s32 $0xFFFFE000  }
0x77: {  	[tilespmem:s23], [sflag:$0x2] =	stream.indirect.gather [hbm4b:s1+s22], $0x80, s31, s22, $0xb8;
	[tilespmem:$0x1D000] =	vst v63  }
0x78: {  	_ =	swait.ge [sflag:s24], $0x2000  }
0x79: {  	[sflag:s24] =	ssyncset.done $0x0  }
0x7a: {  	[sflag:s24] =	ssyncadd.s32 $0xFFFFE000  }
0x7b: {  	[spmem:s3] =	stream.indirect.scatter.add.f32 [tilespmem:s19], [sflag:$0x3], $0x80, s28, s22, $0xb8;
	[tilespmem:$0x1D000] =	vst v63  }
0x7c: {  	_ =	swait.ge [sflag:s20], $0x2000  }
0x7d: {  	[sflag:s20] =	ssyncset.done $0x0  }
0x7e: {  	[sflag:s20] =	ssyncadd.s32 $0xFFFFE000  }
0x7f: {  	_ =	swait.ge [sflag:s26], $0x2000  }
0x80: {  	[sflag:s26] =	ssyncset.done $0x0  }
0x81: {  	[sflag:s26] =	ssyncadd.s32 $0xFFFFE000  }
0x82: {  	[spmem:s3] =	stream.indirect.scatter.add.f32 [tilespmem:s23], [sflag:$0x3], $0x80, s29, s22, $0xb8;
	[tilespmem:$0x1D000] =	vst v63  }
0x83: {  	_ =	swait.ge [sflag:s20], $0x2000  }
0x84: {  	s4 =	sadd.s32 $0x1, s4;
	[sflag:s20] =	ssyncset.done $0x0  }
0x85: {  	s2 =	sshll.u32 s0, $0x6;
	p0 =	sne.s32 s4, s9;
	[sflag:s20] =	ssyncadd.s32 $0xFFFFE000  }
.Ltmp2:
0x86: {  	s2 =	sor.u32 $0x1C03, s2;
	[bflag:$0x0] =	sbarrier.arrive $0xFFFF;
	(pc) =	sbr.rel @p0 .LBB2_1-.Ltmp2, $4  }
0x87: {  	[hbm:s8], [sflag:s2] =	dma.local [spmem:s25], $0x2800  }
0x88: {  	_ =	swait.ge [sflag:s20], $0x2800  }
0x89: {  	[sflag:s20] =	ssyncset.done $0x0  }
0x8a: {  	[sflag:s20] =	ssyncadd.s32 $0xFFFFD800  }
0x8b: {  	_ =	sfence.sel $0x180000  }
0x8c: {  	[bflag:$0x0] =	sbarrier.arrive $0xFFFF  }
0x8d: {  	_ =	strace $0x90000047  }
0x8e: {  	[bflag:$0x2] =	sbarrier.arrive $0xFFFF  }
0x8f: {  	p0 =	sne.s32 s0, $0x0;
	s0 =	rddreg [dreg:$0x3]  }
0x90: {  	s0 =	sadd.s32 @!p0 $0x100000, s0  }
0x91: {  	[sflag:s0] =	ssyncadd.tile.s32 @!p0 $0x1;
	_ =	shalt  }
.Lfunc_end2:
_tile_overlayer_lowered:
.L_overlay_start_2:
0x92: {  	(tag) =	ssettag $0x2  }
0x93: {  	s0 =	rddreg [dreg:$0x0];
	s2 =	stileid.u32  }
0x94: {  	s1 =	rddreg [dreg:$0x1];
	p0 =	sne.s32 s2, $0x0  }
0x95: {  	s3 =	rddreg [dreg:$0x2];
	[bflag:$0x3] =	sbarrier.arrive $0xFFFF;
	s2 =	simm.s32 @!p0 $0x1C03  }
0x96: {  	[timem:s3], [sflag:s2] =	dma.local @!p0 [hbm:s0], s1  }
0x97: {  	s0 =	simm.s32 @!p0 $0x3  }
0x98: {  	_ =	swait.ge @!p0 [sflag:s0], s1  }
0x99: {  	s1 =	ssub.s32 @!p0 $0x0, s1;
	[sflag:s0] =	ssyncset.done @!p0 $0x0  }
0x9a: {  	[sflag:s0] =	ssyncadd.s32 @!p0 s1  }
0x9b: {  	[bflag:$0x3] =	sbarrier.arrive $0xFFFF  }
0x9c: {  	_ =	shalt  }

// kernel: kernel.9.cloned.1.call-start
scs
__scs_entry_jumppad:
0x0: {  	(pc) =	sbr.rel $0x88, $3  }
0x1: {  	(tag) =	ssettag $0x0;
	lr =	simm.s32 $0x1  }
0x2: {  	[smem:$0x3F86] =	sst lr;
	_ =	strace $0xD0000000  }
0x3: {  	_ = 	snop  }
0x4: {  	_ = 	snop  }
0x5: {  	_ = 	snop  }
0x6: {  	_ = 	snop  }
0x7: {  	_ = 	snop  }
__scs_overlays_trampoline_lowered:
0x8: {  	[smem:$0x3F95] =	sst s0  }
0x9: {  	[smem:$0x3F96] =	sst s1  }
0xa: {  	[smem:$0x3F97] =	sst s2  }
0xb: {  	[smem:$0x3F98] =	sst s3  }
0xc: {  	[smem:$0x3F99] =	sst s4  }
0xd: {  	[smem:$0x3F9A] =	sst s5  }
0xe: {  	[smem:$0x3F9B] =	sst s6  }
0xf: {  	[smem:$0x3F9C] =	sst s7  }
0x10: {  	[smem:$0x3F9D] =	sst s8  }
0x11: {  	[smem:$0x3F9E] =	sst s9;
	s0 =	simm.s32 @!p0 $0x0  }
0x12: {  	s1 =	sld [smem:$0x3F84];
	s0 =	simm.s32 @p0 $0x1  }
0x13: {  	[smem:$0x3F9F] =	sst s0;
	s0 =	simm.s32 @!p1 $0x0  }
0x14: {  	s2 =	sld [smem:$0x3F83];
	s0 =	simm.s32 @p1 $0x1  }
0x15: {  	[smem:$0x3FA0] =	sst s0;
	s0 =	simm.s32 @!p2 $0x0  }
0x16: {  	s3 =	sld [smem:$0x3FDB];
	s0 =	simm.s32 @p2 $0x1  }
0x17: {  	s4 =	simm.s32 $0x1BF5;
	[smem:$0x3FA2] =	sst s0  }
0x18: {  	s0 =	sld [smem:$0x3F85];
	_ =	swait.ge [sflag:s4], $0x0  }
0x19: {  	s7 =	sld [smem:$0x3F86]  }
0x1a: {  	s8 =	sadd.s32 $0xFFFFE003, lr  }
0x1b: {  	s9 =	sadd.s32 $0xFFFFFEF7, lr;
	s5 =	simm.s32 $0xFFFFFFFF;
	p2 =	slt.u32 s8, $0xFFFFF086  }
0x1c: {  	p1 =	slt.u32 s9, $0xF7A;
	s5 =	simm.s32 @!p2 $0x0  }
0x1d: {  	s5 =	simm.s32 @p1 $0x1;
	p0 =	seq.s32 s7, s2  }
0x1e: {  	s7 =	smul.u32 @!p0 $0xF7A, s2;
	p2 =	seq.s32 @!p0 s5, $0x0  }
0x1f: {  	s9 =	smul.u32 $0xF7A, s1;
	s8 =	simm.s32 @!p0 $0x1BF5;
	p2 =	por !p2, p0  }
0x20: {  	[sflag:s8] =	ssyncset.s32 @!p0 $0xFFFFF086;
	s6 =	sadd.s32 @!p0 s3, s7;
	s7 =	simm.s32 @!p0 $0x108  }
0x21: {  	s3 =	sadd.s32 s3, s9;
	s6 =	sadd.s32 @!p0 $0x88, s6;
	s7 =	simm.s32 @p2 $0x1082  }
0x22: {  	[simem:s7], [sflag:s8] =	dma.local @!p0 [hbm:s6], $0xF7A  }
0x23: {  	s9 =	sor.u32 $0xD0000000, s2;
	s6 =	simm.s32 $0x108;
	_ =	swait.ge @!p0 [sflag:s8], $0x0  }
0x24: {  	s3 =	sadd.s32 $0x88, s3;
	s6 =	simm.s32 @!p1 $0x1082;
	[sflag:s4] =	ssyncset.s32 $0xFFFFF086  }
0x25: {  	[simem:s6], [sflag:s4] =	dma.local [hbm:s3], $0xF7A  }
0x26: {  	[smem:$0x3F86] =	sst s1;
	(tag) =	ssettag s2;
	_ =	strace s9  }
0x27: {  	s1 =	sld [smem:$0x3F96]  }
0x28: {  	s2 =	sld [smem:$0x3F97]  }
0x29: {  	s4 =	sld [smem:$0x3F99]  }
0x2a: {  	p0 =	seq.s32 s5, $0x0;
	s5 =	sld [smem:$0x3F9A]  }
0x2b: {  	s6 =	sld [smem:$0x3F9B]  }
0x2c: {  	s7 =	sld [smem:$0x3F9C]  }
0x2d: {  	s3 =	simm.s32 $0x108;
	s8 =	sld [smem:$0x3F9D]  }
0x2e: {  	s3 =	simm.s32 @!p0 $0x1082;
	s9 =	sld [smem:$0x3F9E]  }
0x2f: {  	lr =	sadd.s32 s0, s3;
	s0 =	sld [smem:$0x3F95]  }
0x30: {  	s3 =	sld [smem:$0x3F98]  }
0x31: {  	[smem:$0x3FA1] =	sst s10  }
0x32: {  	s10 =	sld [smem:$0x3F9F];
	_ =	sdelay $0x3  }
0x33: {  	p0 =	seq.s32 s10, $0x1;
	s10 =	sld [smem:$0x3FA1];
	_ =	sdelay $0x3  }
0x34: {  	[smem:$0x3FA1] =	sst s10  }
0x35: {  	s10 =	sld [smem:$0x3FA0];
	_ =	sdelay $0x3  }
0x36: {  	p1 =	seq.s32 s10, $0x1;
	s10 =	sld [smem:$0x3FA1];
	_ =	sdelay $0x3  }
0x37: {  	[smem:$0x3FA1] =	sst s10  }
0x38: {  	s10 =	sld [smem:$0x3FA2]  }
0x39: {  	_ = 	snop;
	(pc) =	sbr.ind lr, $3  }
0x3a: {  	_ = 	snop  }
0x3b: {  	_ = 	snop  }
0x3c: {  	p2 =	seq.s32 s10, $0x1;
	s10 =	sld [smem:$0x3FA1]  }
0x3d: {  	_ =	shalt  }
0x3e: {  	_ =	shalt  }
0x3f: {  	_ =	shalt  }
0x40: {  	_ =	shalt  }
0x41: {  	_ =	shalt  }
0x42: {  	_ =	shalt  }
0x43: {  	_ =	shalt  }
0x44: {  	_ =	shalt  }
0x45: {  	_ =	shalt  }
0x46: {  	_ =	shalt  }
0x47: {  	_ =	shalt  }
0x48: {  	_ =	shalt  }
0x49: {  	_ =	shalt  }
0x4a: {  	_ =	shalt  }
0x4b: {  	_ =	shalt  }
0x4c: {  	_ =	shalt  }
0x4d: {  	_ =	shalt  }
0x4e: {  	_ =	shalt  }
0x4f: {  	_ =	shalt  }
0x50: {  	_ =	shalt  }
0x51: {  	_ =	shalt  }
0x52: {  	_ =	shalt  }
0x53: {  	_ =	shalt  }
0x54: {  	_ =	shalt  }
0x55: {  	_ =	shalt  }
0x56: {  	_ =	shalt  }
0x57: {  	_ =	shalt  }
0x58: {  	_ =	shalt  }
0x59: {  	_ =	shalt  }
0x5a: {  	_ =	shalt  }
0x5b: {  	_ =	shalt  }
0x5c: {  	_ =	shalt  }
0x5d: {  	_ =	shalt  }
0x5e: {  	_ =	shalt  }
0x5f: {  	_ =	shalt  }
0x60: {  	_ =	shalt  }
0x61: {  	_ =	shalt  }
0x62: {  	_ =	shalt  }
0x63: {  	_ =	shalt  }
0x64: {  	_ =	shalt  }
0x65: {  	_ =	shalt  }
0x66: {  	_ =	shalt  }
0x67: {  	_ =	shalt  }
0x68: {  	_ =	shalt  }
0x69: {  	_ =	shalt  }
0x6a: {  	_ =	shalt  }
0x6b: {  	_ =	shalt  }
0x6c: {  	_ =	shalt  }
0x6d: {  	_ =	shalt  }
0x6e: {  	_ =	shalt  }
0x6f: {  	_ =	shalt  }
0x70: {  	_ =	shalt  }
0x71: {  	_ =	shalt  }
0x72: {  	_ =	shalt  }
0x73: {  	_ =	shalt  }
0x74: {  	_ =	shalt  }
0x75: {  	_ =	shalt  }
0x76: {  	_ =	shalt  }
0x77: {  	_ =	shalt  }
0x78: {  	_ =	shalt  }
0x79: {  	_ =	shalt  }
0x7a: {  	_ =	shalt  }
0x7b: {  	_ =	shalt  }
0x7c: {  	_ =	shalt  }
0x7d: {  	_ =	shalt  }
0x7e: {  	_ =	shalt  }
0x7f: {  	_ =	shalt  }
0x80: {  	_ =	shalt  }
0x81: {  	_ =	shalt  }
0x82: {  	_ =	shalt  }
0x83: {  	_ =	shalt  }
0x84: {  	_ =	shalt  }
0x85: {  	_ =	shalt  }
0x86: {  	_ =	shalt  }
0x87: {  	_ =	shalt  }
.Lfunc_end0:
.L_simem_size_0:
called_computation.1_lowered:
.L_overlay_start_0:
0x88: {  	s2 =	sld [smem:$0x3FD9]  }
0x89: {  	s3 =	sld [smem:$0x3FFE];
	_ =	sdelay $0x1  }
0x8a: {  	s1 =	srdreg.scid  }
0x8b: {  	s0 =	sand.u32 $0x1, s1  }
0x8c: {  	s16 =	sshll.u32 s0, $0xA;
	s2 =	sadd.s32 s3, s2  }
0x8d: {  	s2 =	sadd.s32 s2, s16  }
0x8e: {  	[smem:$0x3FAD] =	sst s2  }
0x8f: {  	_ = 	snop  }
0x90: {  	(tm) =	ssettm $0x1  }
0x91: {  	s17 =	sld [smem:$0x3FFB];
	_ =	sdelay $0x3  }
0x92: {  	_ =	strace s17  }
0x93: {  	s2 =	sld [smem:$0x3FFC];
	_ =	sdelay $0x3  }
0x94: {  	_ =	strace s2  }
0x95: {  	s2 =	sld [smem:$0x3FFD];
	_ =	sdelay $0x3  }
0x96: {  	_ =	strace s2  }
0x97: {  	_ =	strace $0x8FFFFFFF  }
0x98: {  	s18 =	sld [smem:$0x3FDB];
	_ =	sdelay $0x1  }
0x99: {  	s19 =	simm.s32 $_scs_section_size  }
0x9a: {  	s4 =	simm.s32 $_size__tile_overlayer_lowered;
	s5 =	simm.s32 $_tile_overlayer_lowered  }
0x9b: {  	s22 =	simm.s32 $0x1BFF;
	s21 =	sshll.u32 s5, $0x1;
	s2 =	sadd.s32 s19, s18  }
0x9c: {  	s6 =	simm.s32 $0x0;
	s20 =	sshll.u32 s4, $0x1;
	s4 =	sadd.s32 s21, s2  }
0x9d: {  	[timem:s6], [sflag:s22] =	dma.local [hbm:s4], s20  }
0x9e: {  	_ =	swait.ge [sflag:s22], s20  }
0x9f: {  	s3 =	ssub.s32 $0x0, s20;
	[sflag:s22] =	ssyncset.done $0x0  }
0xa0: {  	[sflag:s22] =	ssyncadd.s32 s3;
	_ =	sdelay $0x1  }
0xa1: {  	s23 =	simm.s32 $0x1B8B  }
0xa2: {  	_ =	swait.ge [sflag:s23], $0x1  }
0xa3: {  	[sflag:s23] =	ssyncset.done $0x0  }
0xa4: {  	s25 =	simm.s32 $0x1B8E;
	s24 =	sld [smem:$0x3FFE];
	[sflag:s23] =	ssyncadd.s32 $0xFFFFFFFF  }
0xa5: {  	s26 =	simm.s32 $execute0_lowered;
	[smem:$0x3FD2] =	sst s25  }
0xa6: {  	s4 =	sshll.u32 s26, $0x1;
	_ =	strace $0x80000049;
	[dreg:$0x1] =	wrdreg $0xFFFFFFFF  }
0xa7: {  	s28 =	simm.s32 $_size_execute0_lowered;
	s2 =	sadd.s32 s2, s4;
	[dreg:$0x0] =	wrdreg $0x0  }
0xa8: {  	s4 =	sshll.u32 s28, $0x1;
	[dreg:$0x2] =	wrdreg s2  }
0xa9: {  	[dreg:$0x3] =	wrdreg s4  }
0xaa: {  	[dreg:$0x4] =	wrdreg $0xC0  }
0xab: {  	_ =	task [dreg:s6], $0x5FFFF  }
0xac: {  	[dreg:$0x1] =	wrdreg $0xFFFFFFFF  }
0xad: {  	[dreg:$0x0] =	wrdreg $0x60  }
0xae: {  	[dreg:$0x2] =	wrdreg s24  }
0xaf: {  	[dreg:$0x3] =	wrdreg $0x90000  }
0xb0: {  	[dreg:$0x4] =	wrdreg $0x9  }
0xb1: {  	_ =	task.clear_ibuf [dreg:s6], $0x5FFFF;
	_ =	strace $0x90000049  }
0xb2: {  	s29 =	simm.s32 $0x9;
	_ =	strace $0x8000004B  }
0xb3: {  	_ =	swait.ge [sflag:s29], $0x1  }
0xb4: {  	[sflag:s29] =	ssyncadd.s32 $0xFFFFFFFF  }
0xb5: {  	_ =	strace $0x9000004B  }
0xb6: {  	_ =	sfence  }
0xb7: {  	s30 =	sld [smem:$0x0];
	_ =	sdelay $0x2  }
0xb8: {  	s31 =	sshll.u32 s1, $0xD;
	s1 =	sshrl.u32 s1, $0x2  }
0xb9: {  	s3 =	sand.u32 $0x4000, s31;
	s1 =	sadd.s32 s1, s30  }
0xba: {  	s0 =	sor.u32 s3, s0;
	s1 =	sshll.u32 s1, $0x11  }
0xbb: {  	s0 =	sor.u32 s1, s0  }
0xbc: {  	s0 =	sadd.s32 $0x8F2B, s0  }
0xbd: {  	[sflag:s0] =	ssyncadd.remote.s32 $0x1  }
0xbe: {  	_ =	sfence.sel $0xFFFF  }
0xbf: {  	[dreg:$0x0] =	wrdreg $0xFFFFFFFF;
	(pc) =	sbr.abs _section_cstart, $3  }
0xc0: {  	[dreg:$0x1] =	wrdreg $0xFFFFFFFF  }
0xc1: {  	_ =	task.clear_ibuf [dreg:s6], $0x2FFFF;
	_ =	strace $0x9FFFFFFF  }
0xc2: {  	(tm) =	ssettm $0x7FFFFFFF  }
0xc3: {  	_ =	shalt  }
tec
execute0_lowered:
.L_overlay_start_1:
0x0: {  	(tag) =	ssettag $0x1  }
0x1: {  	s5 =	rddreg [dreg:$0x0]  }
0x2: {  	s1 =	rddreg [dreg:$0x1]  }
0x3: {  	s2 =	srdreg.scid;
	s0 =	rddreg [dreg:$0x2];
	s3 =	simm.s32 $0x0  }
0x4: {  	s14 =	simm.s32 $0x5000;
	s15 =	simm.s32 $0x3;
	s16 =	simm.s32 $0x2800  }
0x5: {  	s17 =	simm.s32 $0x80;
	s18 =	simm.s32 $0x7000;
	s19 =	simm.s32 $0x1  }
0x6: {  	s20 =	simm.s32 $0x2;
	s21 =	simm.s32 $0x4F00;
	s6 =	sand.u32 $0x1, s2  }
0x7: {  	s22 =	simm.s32 $0x4F80;
	s2 =	stileid.u32;
	s7 =	smul.u32 $0xA0000, s6  }
0x8: {  	[smem:$0x7FF] =	sst s3;
	s4 =	sshll.u32 s6, $0x4;
	s9 =	smul.u32 $0xA000, s2  }
0x9: {  	s10 =	smul.u32 $0x28000, s2;
	s6 =	ssub.s32 $0x2, s6;
	s4 =	sor.u32 s2, s4  }
0xa: {  	_ =	strace $0x8000004A;
	s29 =	sshrl.u32 s6, $0x1;
	s8 =	smul.u32 $0x500, s4  }
0xb: {  	s4 =	sadd.s32 $0x18000, s5;
	s7 =	sadd.s32 s9, s7;
	s30 =	sshrl.u32 s10, $0x2  }
0xc: {  	s31 =	ssub.s32 s6, s29;
	s23 =	sadd.s32 s9, s1;
	s7 =	sshrl.u32 s7, $0x3  }
0xd: {  	s9 =	smax.u32 s31, $0x1;
	s23 =	sshrl.u32 s23, $0x3;
	s8 =	sadd.s32 s8, s5  }
0xe: {  	s11 =	sadd.s32 s7, s5;
	s5 =	sadd.s32 s30, s1;
	s6 =	sadd.s32 $0x4000, s8  }
0xf: {  	s7 =	sadd.s32 $0xE000, s8;
	s8 =	sadd.s32 $0x2BA00, s11;
	s10 =	sadd.s32 $0x2000, s5  }
0x10: {  	v0 =	vimm.f32 $0.0e+00;
	s11 =	sadd.s32 $0x4000, s5;
	s12 =	sadd.s32 $0x6000, s5;
	s13 =	sadd.s32 $0x8000, s5  }
.LBB2_1:
0x11: {  	s25 =	simm.s32 $0x100;
	s24 =	simm.s32 $0x0  }
.LBB2_2:
0x12: {  	p0 =	sne.s32 s25, $0x7F00;
	[tilespmem:s24+$0x5030] =	vst v0;
	s26 =	smov.u32 s25;
	s25 =	sadd.s32 $0x100, s25  }
.Ltmp0:
0x13: {  	[tilespmem:s24+$0x5020] =	vst v0;
	(pc) =	sbr.rel @p0 .LBB2_2-.Ltmp0, $3  }
0x14: {  	[tilespmem:s24+$0x5000] =	vst v0  }
0x15: {  	[tilespmem:s24+$0x5010] =	vst v0;
	_ =	sdelay $0x1  }
0x16: {  	s24 =	sshra.s32 s26, $0x2  }
0x17: {  	[tilespmem:s24+$0x5030] =	vst v0  }
0x18: {  	[tilespmem:s24+$0x5020] =	vst v0  }
0x19: {  	[tilespmem:s24+$0x5000] =	vst v0  }
0x1a: {  	[tilespmem:s24+$0x5010] =	vst v0  }
0x1b: {  	[spmem:s5] =	stream.linear.scatter [tilespmem:s14], [sflag:$0x3], $0x2000, $0x38;
	[tilespmem:$0x13000] =	vst v63  }
0x1c: {  	_ =	swait.ge [sflag:s15], $0x2000  }
0x1d: {  	[sflag:s15] =	ssyncset.done $0x0  }
0x1e: {  	[sflag:s15] =	ssyncadd.s32 $0xFFFFE000  }
0x1f: {  	[spmem:s10] =	stream.linear.scatter [tilespmem:s14], [sflag:$0x3], $0x2000, $0x38;
	[tilespmem:$0x13000] =	vst v63  }
0x20: {  	_ =	swait.ge [sflag:s15], $0x2000  }
0x21: {  	[sflag:s15] =	ssyncset.done $0x0  }
0x22: {  	[sflag:s15] =	ssyncadd.s32 $0xFFFFE000  }
0x23: {  	[spmem:s11] =	stream.linear.scatter [tilespmem:s14], [sflag:$0x3], $0x2000, $0x38;
	[tilespmem:$0x13000] =	vst v63  }
0x24: {  	_ =	swait.ge [sflag:s15], $0x2000  }
0x25: {  	[sflag:s15] =	ssyncset.done $0x0  }
0x26: {  	[sflag:s15] =	ssyncadd.s32 $0xFFFFE000  }
0x27: {  	[spmem:s12] =	stream.linear.scatter [tilespmem:s14], [sflag:$0x3], $0x2000, $0x38;
	[tilespmem:$0x13000] =	vst v63  }
0x28: {  	_ =	swait.ge [sflag:s15], $0x2000  }
0x29: {  	[sflag:s15] =	ssyncset.done $0x0  }
0x2a: {  	[sflag:s15] =	ssyncadd.s32 $0xFFFFE000  }
0x2b: {  	[spmem:s13] =	stream.linear.scatter [tilespmem:s14], [sflag:$0x3], $0x2000, $0x38;
	[tilespmem:$0x13000] =	vst v63  }
0x2c: {  	_ =	swait.ge [sflag:s15], $0x2000  }
0x2d: {  	[sflag:s15] =	ssyncset.done $0x0  }
0x2e: {  	s28 =	simm.s32 $0x0;
	[sflag:s15] =	ssyncadd.s32 $0xFFFFE000  }
0x2f: {  	[tilespmem:s28], [sflag:$0x3] =	stream.linear.gather [hbm4b:s6+s28], $0x2800, $0x38;
	[tilespmem:$0x13000] =	vst v63  }
0x30: {  	_ =	swait.ge [sflag:s15], $0x2800  }
0x31: {  	[sflag:s15] =	ssyncset.done $0x0  }
0x32: {  	[sflag:s15] =	ssyncadd.s32 $0xFFFFD800  }
0x33: {  	[tilespmem:s16], [sflag:$0x3] =	stream.linear.gather [hbm4b:s7+s28], $0x2800, $0x38;
	[tilespmem:$0x13000] =	vst v63  }
0x34: {  	_ =	swait.ge [sflag:s15], $0x2800  }
0x35: {  	[sflag:s15] =	ssyncset.done $0x0  }
0x36: {  	[sflag:s15] =	ssyncadd.s32 $0xFFFFD800  }
0x37: {  	[bflag:$0x0] =	sbarrier.arrive $0xFFFF  }
0x38: {  	[tilespmem:s14], [sflag:$0x1] =	stream.indirect.gather [hbm4b:s4+s17], $0x40, s28, s17, $0xb8;
	[tilespmem:$0x13000] =	vst v63  }
0x39: {  	_ = 	snop  }
0x3a: {  	[tilespmem:s18], [sflag:$0x2] =	stream.indirect.gather [hbm4b:s4+s17], $0x40, s17, s17, $0xb8;
	[tilespmem:$0x13000] =	vst v63  }
0x3b: {  	_ =	swait.ge [sflag:s19], $0x2000  }
0x3c: {  	[sflag:s19] =	ssyncset.done $0x0  }
0x3d: {  	s29 =	simm.s32 $0x2800;
	[sflag:s19] =	ssyncadd.s32 $0xFFFFE000  }
0x3e: {  	[spmem:s1] =	stream.indirect.scatter.add.f32 [tilespmem:s14], [sflag:$0x3], $0x40, s29, s17, $0xb8;
	[tilespmem:$0x13000] =	vst v63  }
0x3f: {  	_ =	swait.ge [sflag:s15], $0x2000  }
0x40: {  	[sflag:s15] =	ssyncset.done $0x0  }
0x41: {  	s30 =	simm.s32 $0x100;
	[sflag:s15] =	ssyncadd.s32 $0xFFFFE000  }
0x42: {  	[tilespmem:s14], [sflag:$0x1] =	stream.indirect.gather [hbm4b:s4+s17], $0x40, s30, s17, $0xb8;
	[tilespmem:$0x13000] =	vst v63  }
0x43: {  	_ =	swait.ge [sflag:s20], $0x2000  }
0x44: {  	[sflag:s20] =	ssyncset.done $0x0  }
0x45: {  	s31 =	simm.s32 $0x2880;
	[sflag:s20] =	ssyncadd.s32 $0xFFFFE000  }
0x46: {  	[spmem:s1] =	stream.indirect.scatter.add.f32 [tilespmem:s18], [sflag:$0x3], $0x40, s31, s17, $0xb8;
	[tilespmem:$0x13000] =	vst v63  }
0x47: {  	_ =	swait.ge [sflag:s15], $0x2000  }
0x48: {  	[sflag:s15] =	ssyncset.done $0x0  }
0x49: {  	s24 =	simm.s32 $0x400;
	s25 =	simm.s32 $0x180;
	[sflag:s15] =	ssyncadd.s32 $0xFFFFE000  }
.LBB2_4:
0x4a: {  	[tilespmem:s18], [sflag:$0x2] =	stream.indirect.gather [hbm4b:s4+s17], $0x40, s25, s17, $0xb8;
	[tilespmem:$0x13000] =	vst v63  }
0x4b: {  	s25 =	smov.u32 s24  }
0x4c: {  	p0 =	sne.s32 s24, $0x9800;
	s24 =	sadd.s32 $0x400, s24;
	_ =	swait.ge [sflag:s19], $0x2000  }
0x4d: {  	s25 =	sshra.s32 s25, $0x2;
	[sflag:s19] =	ssyncset.done $0x0  }
0x4e: {  	s26 =	sadd.s32 $0x2800, s25;
	[sflag:s19] =	ssyncadd.s32 $0xFFFFE000  }
0x4f: {  	[spmem:s1] =	stream.indirect.scatter.add.f32 [tilespmem:s14], [sflag:$0x3], $0x40, s26, s17, $0xb8;
	[tilespmem:$0x13000] =	vst v63  }
0x50: {  	_ =	swait.ge [sflag:s15], $0x2000  }
0x51: {  	[sflag:s15] =	ssyncset.done $0x0  }
0x52: {  	s26 =	sadd.s32 $0x100, s25;
	[sflag:s15] =	ssyncadd.s32 $0xFFFFE000  }
0x53: {  	[tilespmem:s14], [sflag:$0x1] =	stream.indirect.gather [hbm4b:s4+s17], $0x40, s26, s17, $0xb8;
	[tilespmem:$0x13000] =	vst v63  }
0x54: {  	_ =	swait.ge [sflag:s20], $0x2000  }
0x55: {  	[sflag:s20] =	ssyncset.done $0x0  }
.Ltmp1:
0x56: {  	s26 =	sadd.s32 $0x2880, s25;
	[sflag:s20] =	ssyncadd.s32 $0xFFFFE000;
	(pc) =	sbr.rel @p0 .LBB2_4-.Ltmp1, $4  }
0x57: {  	[spmem:s1] =	stream.indirect.scatter.add.f32 [tilespmem:s18], [sflag:$0x3], $0x40, s26, s17, $0xb8;
	[tilespmem:$0x13000] =	vst v63  }
0x58: {  	_ =	swait.ge [sflag:s15], $0x2000  }
0x59: {  	[sflag:s15] =	ssyncset.done $0x0  }
0x5a: {  	s25 =	sadd.s32 $0x180, s25;
	[sflag:s15] =	ssyncadd.s32 $0xFFFFE000  }
0x5b: {  	[tilespmem:s18], [sflag:$0x2] =	stream.indirect.gather [hbm4b:s4+s17], $0x40, s25, s17, $0xb8;
	[tilespmem:$0x13000] =	vst v63  }
0x5c: {  	_ =	swait.ge [sflag:s19], $0x2000  }
0x5d: {  	[sflag:s19] =	ssyncset.done $0x0  }
0x5e: {  	[sflag:s19] =	ssyncadd.s32 $0xFFFFE000  }
0x5f: {  	[spmem:s1] =	stream.indirect.scatter.add.f32 [tilespmem:s14], [sflag:$0x3], $0x40, s21, s17, $0xb8;
	[tilespmem:$0x13000] =	vst v63  }
0x60: {  	_ =	swait.ge [sflag:s15], $0x2000  }
0x61: {  	[sflag:s15] =	ssyncset.done $0x0  }
0x62: {  	[sflag:s15] =	ssyncadd.s32 $0xFFFFE000  }
0x63: {  	_ =	swait.ge [sflag:s20], $0x2000  }
0x64: {  	[sflag:s20] =	ssyncset.done $0x0  }
0x65: {  	[sflag:s20] =	ssyncadd.s32 $0xFFFFE000  }
0x66: {  	[spmem:s1] =	stream.indirect.scatter.add.f32 [tilespmem:s18], [sflag:$0x3], $0x40, s22, s17, $0xb8;
	[tilespmem:$0x13000] =	vst v63  }
0x67: {  	_ =	swait.ge [sflag:s15], $0x2000  }
0x68: {  	s3 =	sadd.s32 $0x1, s3;
	[sflag:s15] =	ssyncset.done $0x0  }
0x69: {  	s24 =	sshll.u32 s2, $0x6;
	p0 =	sne.s32 s3, s9;
	[sflag:s15] =	ssyncadd.s32 $0xFFFFE000  }
.Ltmp2:
0x6a: {  	s24 =	sor.u32 $0x1C03, s24;
	[bflag:$0x0] =	sbarrier.arrive $0xFFFF;
	(pc) =	sbr.rel @p0 .LBB2_1-.Ltmp2, $4  }
0x6b: {  	[hbm:s8], [sflag:s24] =	dma.local [spmem:s23], $0x1400  }
0x6c: {  	_ =	swait.ge [sflag:s15], $0x1400  }
0x6d: {  	[sflag:s15] =	ssyncset.done $0x0  }
0x6e: {  	[sflag:s15] =	ssyncadd.s32 $0xFFFFEC00  }
0x6f: {  	_ =	sfence.sel $0x180000  }
0x70: {  	[bflag:$0x0] =	sbarrier.arrive $0xFFFF  }
0x71: {  	p0 =	sne.s32 s2, $0x0;
	_ =	strace $0x9000004A  }
0x72: {  	s0 =	sadd.s32 @!p0 $0x100000, s0;
	[bflag:$0x2] =	sbarrier.arrive $0xFFFF  }
0x73: {  	[sflag:s0] =	ssyncadd.tile.s32 @!p0 $0x1;
	_ =	shalt  }
.Lfunc_end2:
_tile_overlayer_lowered:
.L_overlay_start_2:
0x74: {  	(tag) =	ssettag $0x2  }
0x75: {  	s0 =	rddreg [dreg:$0x0];
	s2 =	stileid.u32  }
0x76: {  	s1 =	rddreg [dreg:$0x1];
	p0 =	sne.s32 s2, $0x0  }
0x77: {  	s3 =	rddreg [dreg:$0x2];
	[bflag:$0x3] =	sbarrier.arrive $0xFFFF;
	s2 =	simm.s32 @!p0 $0x1C03  }
0x78: {  	[timem:s3], [sflag:s2] =	dma.local @!p0 [hbm:s0], s1  }
0x79: {  	s0 =	simm.s32 @!p0 $0x3  }
0x7a: {  	_ =	swait.ge @!p0 [sflag:s0], s1  }
0x7b: {  	s1 =	ssub.s32 @!p0 $0x0, s1;
	[sflag:s0] =	ssyncset.done @!p0 $0x0  }
0x7c: {  	[sflag:s0] =	ssyncadd.s32 @!p0 s1  }
0x7d: {  	[bflag:$0x3] =	sbarrier.arrive $0xFFFF  }
0x7e: {  	_ =	shalt  }

</sc_bundles>
